<compile_context>
chip_gen: v7x
topology: tpu7x:2x2x1
jax: 0.10.2.dev20260603
libtpu: 0.0.44.dev20260713+nightly
codegen_flags: <defaults>
</compile_context>

<pallas_src>
import functools

import jax
import jax.numpy as jnp
from jax import lax
from jax.experimental import pallas as pl
from jax.experimental.pallas import tpu as pltpu
from jax.experimental.pallas import tpu_sc as plsc

DIM = 64
EPS = 1e-12

NC = 2
NS = 16
NW = NC * NS

CHUNK = 128
RING = 8

BB = 3200
SB = 2 * BB // 128


def _sc_gather_body(nchunks, idx_hbm, tab_hbm, out_hbm, idx_v, rows_v, gsem, wsem):
    wid = lax.axis_index("s") * NC + lax.axis_index("c")
    chunk0 = wid * nchunks

    pltpu.sync_copy(idx_hbm.at[pl.ds(chunk0, nchunks)], idx_v)

    ngroups = nchunks // RING

    def group(g, carry):
        base = g * RING
        gds = [
            pltpu.async_copy(tab_hbm.at[idx_v.at[base + r]], rows_v.at[r], gsem.at[r])
            for r in range(RING)
        ]
        for d in gds:
            d.wait()
        wds = [
            pltpu.async_copy(
                rows_v.at[r],
                out_hbm.at[pl.ds((chunk0 + base + r) * CHUNK, CHUNK)],
                wsem.at[r],
            )
            for r in range(RING)
        ]
        for d in wds:
            d.wait()
        return carry

    lax.fori_loop(0, ngroups, group, 0)


def _sc_gather(word_emb, idx2d):
    nchunks_total, chunk = idx2d.shape
    assert chunk == CHUNK and nchunks_total % NW == 0
    nchunks = nchunks_total // NW
    assert nchunks % RING == 0
    n = nchunks_total * CHUNK
    mesh = plsc.VectorSubcoreMesh(core_axis_name="c", subcore_axis_name="s")
    return pl.kernel(
        functools.partial(_sc_gather_body, nchunks),
        out_type=jax.ShapeDtypeStruct((n, DIM), jnp.float32),
        mesh=mesh,
        scratch_types=[
            pltpu.VMEM((nchunks, CHUNK), jnp.int32),
            pltpu.VMEM((RING, CHUNK, DIM), jnp.float32),
            pltpu.SemaphoreType.DMA((RING,)),
            pltpu.SemaphoreType.DMA((RING,)),
        ],
        compiler_params=pltpu.CompilerParams(use_tc_tiling_on_sc=False),
    )(idx2d, word_emb)


def _tc_ln_body(w_ref, sg_ref, pos_ref, emat_ref, ohe_ref, oho_ref, tokc_ref, o_ref):
    w = w_ref[...]
    pos = pos_ref[...]
    emat = emat_ref[...]
    ohe = ohe_ref[...]
    oho = oho_ref[...]
    tok0 = tokc_ref[0][None, :]
    dtok = tokc_ref[1][None, :]
    mlow = tokc_ref[2][None, :]
    gam = tokc_ref[3][None, :]
    bet = tokc_ref[4][None, :]

    dn2 = (((1,), (0,)), ((), ()))
    sg = sg_ref[0].astype(jnp.float32)
    c = lax.dot_general(emat, sg, dn2)
    sev = jnp.sum(c * ohe, axis=1, keepdims=True)
    sov = jnp.sum(c * oho, axis=1, keepdims=True)
    segx = sev * mlow + sov * (1.0 - mlow)

    e = w + pos + tok0 + segx * dtok

    havg = jnp.concatenate([mlow, 1.0 - mlow], axis=0) * (1.0 / DIM)
    gmat = jnp.concatenate([mlow, 1.0 - mlow], axis=0)
    m2 = lax.dot_general(e, havg.T, dn2)
    mexp = lax.dot_general(m2, gmat, dn2)
    d = e - mexp
    q2 = lax.dot_general(d * d, havg.T, dn2)
    rs2 = lax.rsqrt(q2 + EPS)
    rsexp = lax.dot_general(rs2, gmat, dn2)
    o_ref[...] = d * rsexp * gam + bet


def _tc_ln(w2, sg3, pos_t, emat, ohe, oho, tokc):
    nrows = w2.shape[0]
    grid = (nrows // BB,)
    return pl.pallas_call(
        _tc_ln_body,
        grid=grid,
        in_specs=[
            pl.BlockSpec((BB, 128), lambda i: (i, 0)),
            pl.BlockSpec((1, SB, 128), lambda i: (i, 0, 0)),
            pl.BlockSpec((BB, 128), lambda i: (0, 0)),
            pl.BlockSpec((BB, SB), lambda i: (0, 0)),
            pl.BlockSpec((BB, 128), lambda i: (0, 0)),
            pl.BlockSpec((BB, 128), lambda i: (0, 0)),
            pl.BlockSpec((5, 128), lambda i: (0, 0)),
        ],
        out_specs=pl.BlockSpec((BB, 128), lambda i: (i, 0)),
        out_shape=jax.ShapeDtypeStruct((nrows, 128), jnp.float32),
    )(w2, sg3, pos_t, emat, ohe, oho, tokc)


def kernel(x, seg, word_emb, pos_emb, tok_emb, gamma, beta):
    b, l = x.shape
    n = b * l
    nrows = n // 2
    nblocks = nrows // BB

    idx2d = x.reshape(-1, CHUNK).astype(jnp.int32)
    w = _sc_gather(word_emb, idx2d)
    w2 = w.reshape(nrows, 128)

    sg3 = seg.reshape(nblocks, SB, 128)

    pos128 = pos_emb[:l].reshape(l // 2, 128)
    pos_t = jnp.tile(pos128, (BB // (l // 2), 1))

    jrow = jnp.arange(BB, dtype=jnp.int32)
    lane = jnp.arange(128, dtype=jnp.int32)
    emat = (jrow[:, None] // 64 == jnp.arange(SB, dtype=jnp.int32)[None, :]).astype(jnp.float32)
    ohe = (lane[None, :] == 2 * (jrow[:, None] % 64)).astype(jnp.float32)
    oho = (lane[None, :] == 2 * (jrow[:, None] % 64) + 1).astype(jnp.float32)

    mlow = (lane < DIM).astype(jnp.float32)
    tok0x = jnp.tile(tok_emb[0], 2)
    dtokx = jnp.tile(tok_emb[1] - tok_emb[0], 2)
    g128 = jnp.tile(gamma, 2)
    b128 = jnp.tile(beta, 2)
    tokc = jnp.stack([tok0x, dtokx, mlow, g128, b128], axis=0)

    out2 = _tc_ln(w2, sg3, pos_t, emat, ohe, oho, tokc)
    return out2.reshape(b, l, DIM)

# --- scband reference (transcript-rebuilt; emitter-appended) ---
"""Pipeline reference for scband-bert-embeddings-2851858284549 (READ-ONLY COPY).

The authoritative reference and input builder live on the scoring server;
editing this copy changes nothing except your own understanding.
"""

import jax, jax.numpy as jnp
import numpy as np

VOCAB = 1000000
DIM = 64
MAX_LEN = 512
N_SEG = 2
EPS = 1e-12
B = 4096
L = 200

def setup_inputs(seed: int = 0) -> dict:
    key = jax.random.key(seed)
    k1, k2, k3, k4, k5 = jax.random.split(key, 5)
    x = jax.random.randint(k1, (B, L), 0, VOCAB, dtype=jnp.int64) if jax.config.jax_enable_x64 else jax.random.randint(k1, (B, L), 0, VOCAB, dtype=jnp.int32)
    seg = jax.random.randint(k2, (B, L), 0, N_SEG, dtype=jnp.int32)
    word_emb = jax.random.normal(k3, (VOCAB, DIM), dtype=jnp.float32) * 0.02
    word_emb = word_emb.at[0].set(0.0)  # padding_idx=0
    pos_emb = jax.random.normal(k4, (MAX_LEN, DIM), dtype=jnp.float32) * 0.02
    tok_emb = jax.random.normal(k5, (N_SEG, DIM), dtype=jnp.float32) * 0.02
    gamma = jnp.ones((DIM,), dtype=jnp.float32)
    beta = jnp.zeros((DIM,), dtype=jnp.float32)
    return {"x": x, "seg": seg, "word_emb": word_emb, "pos_emb": pos_emb, "tok_emb": tok_emb, "gamma": gamma, "beta": beta}

def reference(x, seg, word_emb, pos_emb, tok_emb, gamma, beta):
    seq_len = x.shape[1]
    pos = jnp.broadcast_to(jnp.arange(seq_len, dtype=x.dtype)[None, :], x.shape)
    e = jnp.take(word_emb, x, axis=0) + jnp.take(pos_emb, pos, axis=0) + jnp.take(tok_emb, seg, axis=0)
    mean = jnp.mean(e, axis=-1, keepdims=True)
    var = jnp.mean((e - mean) ** 2, axis=-1, keepdims=True)
    e = (e - mean) / jnp.sqrt(var + EPS)
    e = e * gamma + beta
    # dropout is identity in eval mode
    return e

if __name__ == "__main__":
    import jax
    _d = setup_inputs()
    print(jax.jit(kernel)(*tuple(_d.values())))

</pallas_src>

<mosaic_0001>
#map = affine_map<(d0, d1) -> (0, 0)>
module attributes {stable_mosaic.version = 14 : i64} {
  func.func @_sc_gather_body(%arg0: i32, %arg1: i32, %arg2: memref<6400x128xi32, #tpu.memory_space<hbm>>, %arg3: memref<1000000x64xf32, #tpu.memory_space<hbm>>, %arg4: memref<819200x64xf32, #tpu.memory_space<hbm>>, %arg5: memref<200x128xi32, #tpu.memory_space<vmem>>, %arg6: memref<8x128x64xf32, #tpu.memory_space<vmem>>, %arg7: memref<8x!tpu.dma_semaphore, #tpu.memory_space<semaphore_mem>>, %arg8: memref<8x!tpu.dma_semaphore, #tpu.memory_space<semaphore_mem>>) attributes {dimension_semantics = [#tpu.dimension_semantics<core_parallel>, #tpu.dimension_semantics<subcore_parallel>], iteration_bounds = array<i64: 2, 16>, scalar_prefetch = 0 : i64, scratch_operands = 4 : i64, tpu.core_type = #tpu.core_type<sc_vector_subcore>, window_params = [{transform_indices = #map}, {transform_indices = #map}, {transform_indices = #map}]} {
    %mul3A = arith.constant 2 : i32
    %mul3A_0 = arith.muli %arg1, %mul3A : i32
    %add3A = arith.addi %mul3A_0, %arg0 : i32
    %mul3A_1 = arith.constant 200 : i32
    %mul3A_2 = arith.muli %add3A, %mul3A_1 : i32
    "tpu.region"() ({
      %run_scoped3A = tpu.sem_alloc : memref<!tpu.dma_semaphore, #tpu.memory_space<semaphore_mem>>
      %dma_start3A = arith.constant 0 : i32
      %dma_start3A_8 = tpu.memref_slice %arg2[%mul3A_2, %dma_start3A] : memref<6400x128xi32, #tpu.memory_space<hbm>> -> memref<200x128xi32, #tpu.memory_space<hbm>>
      %dma_start3A_9 = arith.constant 0 : i32
      %dma_start3A_10 = tpu.memref_slice %arg2[%mul3A_2, %dma_start3A_9] : memref<6400x128xi32, #tpu.memory_space<hbm>> -> memref<200x128xi32, #tpu.memory_space<hbm>>
      tpu.enqueue_dma source(%dma_start3A_10 : memref<200x128xi32, #tpu.memory_space<hbm>>) target(%arg5 : memref<200x128xi32, #tpu.memory_space<vmem>>) target_semaphore(%run_scoped3A : memref<!tpu.dma_semaphore, #tpu.memory_space<semaphore_mem>>)
      %dma_wait3A = arith.constant 0 : i32
      %dma_wait3A_11 = tpu.memref_slice %arg2[%mul3A_2, %dma_wait3A] : memref<6400x128xi32, #tpu.memory_space<hbm>> -> memref<200x128xi32, #tpu.memory_space<hbm>>
      %dma_wait3A_12 = arith.constant 0 : i32
      %dma_wait3A_13 = tpu.memref_slice %arg2[%mul3A_2, %dma_wait3A_12] : memref<6400x128xi32, #tpu.memory_space<hbm>> -> memref<200x128xi32, #tpu.memory_space<hbm>>
      tpu.wait_dma2 semaphore(%run_scoped3A : memref<!tpu.dma_semaphore, #tpu.memory_space<semaphore_mem>>) src(%dma_wait3A_13 : memref<200x128xi32, #tpu.memory_space<hbm>>) dst(%arg5 : memref<200x128xi32, #tpu.memory_space<vmem>>)
      tpu.yield
    }) : () -> ()
    %scan3A = arith.constant 0 : i32
    %scan3A_3 = arith.constant 0 : i32
    %scan3A_4 = arith.constant 25 : i32
    %scan3A_5 = arith.addi %scan3A_3, %scan3A_4 : i32
    %scan3A_6 = arith.constant 1 : i32
    scf.for %scan3A_8 = %scan3A_3 to %scan3A_5 step %scan3A_6  : i32 {
      %mul3A_9 = arith.constant 8 : i32
      %mul3A_10 = arith.muli %scan3A_8, %mul3A_9 : i32
      %add3A_11 = arith.constant 0 : i32
      %add3A_12 = arith.addi %mul3A_10, %add3A_11 : i32
      %dma_start3A = arith.constant 0 : i32
      %dma_start3A_13 = arith.constant 0 : i32
      %dma_start3A_14 = arith.constant 0 : i32
      %dma_start3A_15 = arith.constant 0 : i32
      %dma_start3A_16 = tpu.memref_slice %arg6[%dma_start3A, %dma_start3A_14, %dma_start3A_15] : memref<8x128x64xf32, #tpu.memory_space<vmem>> -> memref<1x128x64xf32, #tpu.memory_space<vmem>>
      %dma_start3A_17 = tpu.memref_squeeze %dma_start3A_16 : memref<1x128x64xf32, #tpu.memory_space<vmem>> -> memref<128x64xf32, #tpu.memory_space<vmem>>
      %dma_start3A_18 = arith.constant 0 : i32
      %dma_start3A_19 = tpu.memref_slice %arg5[%add3A_12, %dma_start3A_18] : memref<200x128xi32, #tpu.memory_space<vmem>> -> memref<1x128xi32, #tpu.memory_space<vmem>>
      %dma_start3A_20 = tpu.memref_squeeze %dma_start3A_19 : memref<1x128xi32, #tpu.memory_space<vmem>> -> memref<128xi32, #tpu.memory_space<vmem>>
      %dma_start3A_21 = arith.constant 0 : i32
      %dma_start3A_22 = arith.constant 0 : i32
      %dma_start3A_23 = tpu.memref_slice %arg3[%dma_start3A_21, %dma_start3A_22] : memref<1000000x64xf32, #tpu.memory_space<hbm>> -> memref<1000000x64xf32, #tpu.memory_space<hbm>>
      %dma_start3A_24 = tpu.memref_slice %arg7[%dma_start3A_13] : memref<8x!tpu.dma_semaphore, #tpu.memory_space<semaphore_mem>> -> memref<1x!tpu.dma_semaphore, #tpu.memory_space<semaphore_mem>>
      %dma_start3A_25 = tpu.memref_squeeze %dma_start3A_24 : memref<1x!tpu.dma_semaphore, #tpu.memory_space<semaphore_mem>> -> memref<!tpu.dma_semaphore, #tpu.memory_space<semaphore_mem>>
      tpu.enqueue_indirect_dma source(%dma_start3A_23 : memref<1000000x64xf32, #tpu.memory_space<hbm>>) target(%dma_start3A_17 : memref<128x64xf32, #tpu.memory_space<vmem>>) offsets(%dma_start3A_20 : memref<128xi32, #tpu.memory_space<vmem>>) semaphore(%dma_start3A_25 : memref<!tpu.dma_semaphore, #tpu.memory_space<semaphore_mem>>)
      %add3A_26 = arith.constant 1 : i32
      %add3A_27 = arith.addi %mul3A_10, %add3A_26 : i32
      %dma_start3A_28 = arith.constant 1 : i32
      %dma_start3A_29 = arith.constant 1 : i32
      %dma_start3A_30 = arith.constant 0 : i32
      %dma_start3A_31 = arith.constant 0 : i32
      %dma_start3A_32 = tpu.memref_slice %arg6[%dma_start3A_28, %dma_start3A_30, %dma_start3A_31] : memref<8x128x64xf32, #tpu.memory_space<vmem>> -> memref<1x128x64xf32, #tpu.memory_space<vmem>>
      %dma_start3A_33 = tpu.memref_squeeze %dma_start3A_32 : memref<1x128x64xf32, #tpu.memory_space<vmem>> -> memref<128x64xf32, #tpu.memory_space<vmem>>
      %dma_start3A_34 = arith.constant 0 : i32
      %dma_start3A_35 = tpu.memref_slice %arg5[%add3A_27, %dma_start3A_34] : memref<200x128xi32, #tpu.memory_space<vmem>> -> memref<1x128xi32, #tpu.memory_space<vmem>>
      %dma_start3A_36 = tpu.memref_squeeze %dma_start3A_35 : memref<1x128xi32, #tpu.memory_space<vmem>> -> memref<128xi32, #tpu.memory_space<vmem>>
      %dma_start3A_37 = arith.constant 0 : i32
      %dma_start3A_38 = arith.constant 0 : i32
      %dma_start3A_39 = tpu.memref_slice %arg3[%dma_start3A_37, %dma_start3A_38] : memref<1000000x64xf32, #tpu.memory_space<hbm>> -> memref<1000000x64xf32, #tpu.memory_space<hbm>>
      %dma_start3A_40 = tpu.memref_slice %arg7[%dma_start3A_29] : memref<8x!tpu.dma_semaphore, #tpu.memory_space<semaphore_mem>> -> memref<1x!tpu.dma_semaphore, #tpu.memory_space<semaphore_mem>>
      %dma_start3A_41 = tpu.memref_squeeze %dma_start3A_40 : memref<1x!tpu.dma_semaphore, #tpu.memory_space<semaphore_mem>> -> memref<!tpu.dma_semaphore, #tpu.memory_space<semaphore_mem>>
      tpu.enqueue_indirect_dma source(%dma_start3A_39 : memref<1000000x64xf32, #tpu.memory_space<hbm>>) target(%dma_start3A_33 : memref<128x64xf32, #tpu.memory_space<vmem>>) offsets(%dma_start3A_36 : memref<128xi32, #tpu.memory_space<vmem>>) semaphore(%dma_start3A_41 : memref<!tpu.dma_semaphore, #tpu.memory_space<semaphore_mem>>)
      %add3A_42 = arith.constant 2 : i32
      %add3A_43 = arith.addi %mul3A_10, %add3A_42 : i32
      %dma_start3A_44 = arith.constant 2 : i32
      %dma_start3A_45 = arith.constant 2 : i32
      %dma_start3A_46 = arith.constant 0 : i32
      %dma_start3A_47 = arith.constant 0 : i32
      %dma_start3A_48 = tpu.memref_slice %arg6[%dma_start3A_44, %dma_start3A_46, %dma_start3A_47] : memref<8x128x64xf32, #tpu.memory_space<vmem>> -> memref<1x128x64xf32, #tpu.memory_space<vmem>>
      %dma_start3A_49 = tpu.memref_squeeze %dma_start3A_48 : memref<1x128x64xf32, #tpu.memory_space<vmem>> -> memref<128x64xf32, #tpu.memory_space<vmem>>
      %dma_start3A_50 = arith.constant 0 : i32
      %dma_start3A_51 = tpu.memref_slice %arg5[%add3A_43, %dma_start3A_50] : memref<200x128xi32, #tpu.memory_space<vmem>> -> memref<1x128xi32, #tpu.memory_space<vmem>>
      %dma_start3A_52 = tpu.memref_squeeze %dma_start3A_51 : memref<1x128xi32, #tpu.memory_space<vmem>> -> memref<128xi32, #tpu.memory_space<vmem>>
      %dma_start3A_53 = arith.constant 0 : i32
      %dma_start3A_54 = arith.constant 0 : i32
      %dma_start3A_55 = tpu.memref_slice %arg3[%dma_start3A_53, %dma_start3A_54] : memref<1000000x64xf32, #tpu.memory_space<hbm>> -> memref<1000000x64xf32, #tpu.memory_space<hbm>>
      %dma_start3A_56 = tpu.memref_slice %arg7[%dma_start3A_45] : memref<8x!tpu.dma_semaphore, #tpu.memory_space<semaphore_mem>> -> memref<1x!tpu.dma_semaphore, #tpu.memory_space<semaphore_mem>>
      %dma_start3A_57 = tpu.memref_squeeze %dma_start3A_56 : memref<1x!tpu.dma_semaphore, #tpu.memory_space<semaphore_mem>> -> memref<!tpu.dma_semaphore, #tpu.memory_space<semaphore_mem>>
      tpu.enqueue_indirect_dma source(%dma_start3A_55 : memref<1000000x64xf32, #tpu.memory_space<hbm>>) target(%dma_start3A_49 : memref<128x64xf32, #tpu.memory_space<vmem>>) offsets(%dma_start3A_52 : memref<128xi32, #tpu.memory_space<vmem>>) semaphore(%dma_start3A_57 : memref<!tpu.dma_semaphore, #tpu.memory_space<semaphore_mem>>)
      %add3A_58 = arith.constant 3 : i32
      %add3A_59 = arith.addi %mul3A_10, %add3A_58 : i32
      %dma_start3A_60 = arith.constant 3 : i32
      %dma_start3A_61 = arith.constant 3 : i32
      %dma_start3A_62 = arith.constant 0 : i32
      %dma_start3A_63 = arith.constant 0 : i32
      %dma_start3A_64 = tpu.memref_slice %arg6[%dma_start3A_60, %dma_start3A_62, %dma_start3A_63] : memref<8x128x64xf32, #tpu.memory_space<vmem>> -> memref<1x128x64xf32, #tpu.memory_space<vmem>>
      %dma_start3A_65 = tpu.memref_squeeze %dma_start3A_64 : memref<1x128x64xf32, #tpu.memory_space<vmem>> -> memref<128x64xf32, #tpu.memory_space<vmem>>
      %dma_start3A_66 = arith.constant 0 : i32
      %dma_start3A_67 = tpu.memref_slice %arg5[%add3A_59, %dma_start3A_66] : memref<200x128xi32, #tpu.memory_space<vmem>> -> memref<1x128xi32, #tpu.memory_space<vmem>>
      %dma_start3A_68 = tpu.memref_squeeze %dma_start3A_67 : memref<1x128xi32, #tpu.memory_space<vmem>> -> memref<128xi32, #tpu.memory_space<vmem>>
      %dma_start3A_69 = arith.constant 0 : i32
      %dma_start3A_70 = arith.constant 0 : i32
      %dma_start3A_71 = tpu.memref_slice %arg3[%dma_start3A_69, %dma_start3A_70] : memref<1000000x64xf32, #tpu.memory_space<hbm>> -> memref<1000000x64xf32, #tpu.memory_space<hbm>>
      %dma_start3A_72 = tpu.memref_slice %arg7[%dma_start3A_61] : memref<8x!tpu.dma_semaphore, #tpu.memory_space<semaphore_mem>> -> memref<1x!tpu.dma_semaphore, #tpu.memory_space<semaphore_mem>>
      %dma_start3A_73 = tpu.memref_squeeze %dma_start3A_72 : memref<1x!tpu.dma_semaphore, #tpu.memory_space<semaphore_mem>> -> memref<!tpu.dma_semaphore, #tpu.memory_space<semaphore_mem>>
      tpu.enqueue_indirect_dma source(%dma_start3A_71 : memref<1000000x64xf32, #tpu.memory_space<hbm>>) target(%dma_start3A_65 : memref<128x64xf32, #tpu.memory_space<vmem>>) offsets(%dma_start3A_68 : memref<128xi32, #tpu.memory_space<vmem>>) semaphore(%dma_start3A_73 : memref<!tpu.dma_semaphore, #tpu.memory_space<semaphore_mem>>)
      %add3A_74 = arith.constant 4 : i32
      %add3A_75 = arith.addi %mul3A_10, %add3A_74 : i32
      %dma_start3A_76 = arith.constant 4 : i32
      %dma_start3A_77 = arith.constant 4 : i32
      %dma_start3A_78 = arith.constant 0 : i32
      %dma_start3A_79 = arith.constant 0 : i32
      %dma_start3A_80 = tpu.memref_slice %arg6[%dma_start3A_76, %dma_start3A_78, %dma_start3A_79] : memref<8x128x64xf32, #tpu.memory_space<vmem>> -> memref<1x128x64xf32, #tpu.memory_space<vmem>>
      %dma_start3A_81 = tpu.memref_squeeze %dma_start3A_80 : memref<1x128x64xf32, #tpu.memory_space<vmem>> -> memref<128x64xf32, #tpu.memory_space<vmem>>
      %dma_start3A_82 = arith.constant 0 : i32
      %dma_start3A_83 = tpu.memref_slice %arg5[%add3A_75, %dma_start3A_82] : memref<200x128xi32, #tpu.memory_space<vmem>> -> memref<1x128xi32, #tpu.memory_space<vmem>>
      %dma_start3A_84 = tpu.memref_squeeze %dma_start3A_83 : memref<1x128xi32, #tpu.memory_space<vmem>> -> memref<128xi32, #tpu.memory_space<vmem>>
      %dma_start3A_85 = arith.constant 0 : i32
      %dma_start3A_86 = arith.constant 0 : i32
      %dma_start3A_87 = tpu.memref_slice %arg3[%dma_start3A_85, %dma_start3A_86] : memref<1000000x64xf32, #tpu.memory_space<hbm>> -> memref<1000000x64xf32, #tpu.memory_space<hbm>>
      %dma_start3A_88 = tpu.memref_slice %arg7[%dma_start3A_77] : memref<8x!tpu.dma_semaphore, #tpu.memory_space<semaphore_mem>> -> memref<1x!tpu.dma_semaphore, #tpu.memory_space<semaphore_mem>>
      %dma_start3A_89 = tpu.memref_squeeze %dma_start3A_88 : memref<1x!tpu.dma_semaphore, #tpu.memory_space<semaphore_mem>> -> memref<!tpu.dma_semaphore, #tpu.memory_space<semaphore_mem>>
      tpu.enqueue_indirect_dma source(%dma_start3A_87 : memref<1000000x64xf32, #tpu.memory_space<hbm>>) target(%dma_start3A_81 : memref<128x64xf32, #tpu.memory_space<vmem>>) offsets(%dma_start3A_84 : memref<128xi32, #tpu.memory_space<vmem>>) semaphore(%dma_start3A_89 : memref<!tpu.dma_semaphore, #tpu.memory_space<semaphore_mem>>)
      %add3A_90 = arith.constant 5 : i32
      %add3A_91 = arith.addi %mul3A_10, %add3A_90 : i32
      %dma_start3A_92 = arith.constant 5 : i32
      %dma_start3A_93 = arith.constant 5 : i32
      %dma_start3A_94 = arith.constant 0 : i32
      %dma_start3A_95 = arith.constant 0 : i32
      %dma_start3A_96 = tpu.memref_slice %arg6[%dma_start3A_92, %dma_start3A_94, %dma_start3A_95] : memref<8x128x64xf32, #tpu.memory_space<vmem>> -> memref<1x128x64xf32, #tpu.memory_space<vmem>>
      %dma_start3A_97 = tpu.memref_squeeze %dma_start3A_96 : memref<1x128x64xf32, #tpu.memory_space<vmem>> -> memref<128x64xf32, #tpu.memory_space<vmem>>
      %dma_start3A_98 = arith.constant 0 : i32
      %dma_start3A_99 = tpu.memref_slice %arg5[%add3A_91, %dma_start3A_98] : memref<200x128xi32, #tpu.memory_space<vmem>> -> memref<1x128xi32, #tpu.memory_space<vmem>>
      %dma_start3A_100 = tpu.memref_squeeze %dma_start3A_99 : memref<1x128xi32, #tpu.memory_space<vmem>> -> memref<128xi32, #tpu.memory_space<vmem>>
      %dma_start3A_101 = arith.constant 0 : i32
      %dma_start3A_102 = arith.constant 0 : i32
      %dma_start3A_103 = tpu.memref_slice %arg3[%dma_start3A_101, %dma_start3A_102] : memref<1000000x64xf32, #tpu.memory_space<hbm>> -> memref<1000000x64xf32, #tpu.memory_space<hbm>>
      %dma_start3A_104 = tpu.memref_slice %arg7[%dma_start3A_93] : memref<8x!tpu.dma_semaphore, #tpu.memory_space<semaphore_mem>> -> memref<1x!tpu.dma_semaphore, #tpu.memory_space<semaphore_mem>>
      %dma_start3A_105 = tpu.memref_squeeze %dma_start3A_104 : memref<1x!tpu.dma_semaphore, #tpu.memory_space<semaphore_mem>> -> memref<!tpu.dma_semaphore, #tpu.memory_space<semaphore_mem>>
      tpu.enqueue_indirect_dma source(%dma_start3A_103 : memref<1000000x64xf32, #tpu.memory_space<hbm>>) target(%dma_start3A_97 : memref<128x64xf32, #tpu.memory_space<vmem>>) offsets(%dma_start3A_100 : memref<128xi32, #tpu.memory_space<vmem>>) semaphore(%dma_start3A_105 : memref<!tpu.dma_semaphore, #tpu.memory_space<semaphore_mem>>)
      %add3A_106 = arith.constant 6 : i32
      %add3A_107 = arith.addi %mul3A_10, %add3A_106 : i32
      %dma_start3A_108 = arith.constant 6 : i32
      %dma_start3A_109 = arith.constant 6 : i32
      %dma_start3A_110 = arith.constant 0 : i32
      %dma_start3A_111 = arith.constant 0 : i32
      %dma_start3A_112 = tpu.memref_slice %arg6[%dma_start3A_108, %dma_start3A_110, %dma_start3A_111] : memref<8x128x64xf32, #tpu.memory_space<vmem>> -> memref<1x128x64xf32, #tpu.memory_space<vmem>>
      %dma_start3A_113 = tpu.memref_squeeze %dma_start3A_112 : memref<1x128x64xf32, #tpu.memory_space<vmem>> -> memref<128x64xf32, #tpu.memory_space<vmem>>
      %dma_start3A_114 = arith.constant 0 : i32
      %dma_start3A_115 = tpu.memref_slice %arg5[%add3A_107, %dma_start3A_114] : memref<200x128xi32, #tpu.memory_space<vmem>> -> memref<1x128xi32, #tpu.memory_space<vmem>>
      %dma_start3A_116 = tpu.memref_squeeze %dma_start3A_115 : memref<1x128xi32, #tpu.memory_space<vmem>> -> memref<128xi32, #tpu.memory_space<vmem>>
      %dma_start3A_117 = arith.constant 0 : i32
      %dma_start3A_118 = arith.constant 0 : i32
      %dma_start3A_119 = tpu.memref_slice %arg3[%dma_start3A_117, %dma_start3A_118] : memref<1000000x64xf32, #tpu.memory_space<hbm>> -> memref<1000000x64xf32, #tpu.memory_space<hbm>>
      %dma_start3A_120 = tpu.memref_slice %arg7[%dma_start3A_109] : memref<8x!tpu.dma_semaphore, #tpu.memory_space<semaphore_mem>> -> memref<1x!tpu.dma_semaphore, #tpu.memory_space<semaphore_mem>>
      %dma_start3A_121 = tpu.memref_squeeze %dma_start3A_120 : memref<1x!tpu.dma_semaphore, #tpu.memory_space<semaphore_mem>> -> memref<!tpu.dma_semaphore, #tpu.memory_space<semaphore_mem>>
      tpu.enqueue_indirect_dma source(%dma_start3A_119 : memref<1000000x64xf32, #tpu.memory_space<hbm>>) target(%dma_start3A_113 : memref<128x64xf32, #tpu.memory_space<vmem>>) offsets(%dma_start3A_116 : memref<128xi32, #tpu.memory_space<vmem>>) semaphore(%dma_start3A_121 : memref<!tpu.dma_semaphore, #tpu.memory_space<semaphore_mem>>)
      %add3A_122 = arith.constant 7 : i32
      %add3A_123 = arith.addi %mul3A_10, %add3A_122 : i32
      %dma_start3A_124 = arith.constant 7 : i32
      %dma_start3A_125 = arith.constant 7 : i32
      %dma_start3A_126 = arith.constant 0 : i32
      %dma_start3A_127 = arith.constant 0 : i32
      %dma_start3A_128 = tpu.memref_slice %arg6[%dma_start3A_124, %dma_start3A_126, %dma_start3A_127] : memref<8x128x64xf32, #tpu.memory_space<vmem>> -> memref<1x128x64xf32, #tpu.memory_space<vmem>>
      %dma_start3A_129 = tpu.memref_squeeze %dma_start3A_128 : memref<1x128x64xf32, #tpu.memory_space<vmem>> -> memref<128x64xf32, #tpu.memory_space<vmem>>
      %dma_start3A_130 = arith.constant 0 : i32
      %dma_start3A_131 = tpu.memref_slice %arg5[%add3A_123, %dma_start3A_130] : memref<200x128xi32, #tpu.memory_space<vmem>> -> memref<1x128xi32, #tpu.memory_space<vmem>>
      %dma_start3A_132 = tpu.memref_squeeze %dma_start3A_131 : memref<1x128xi32, #tpu.memory_space<vmem>> -> memref<128xi32, #tpu.memory_space<vmem>>
      %dma_start3A_133 = arith.constant 0 : i32
      %dma_start3A_134 = arith.constant 0 : i32
      %dma_start3A_135 = tpu.memref_slice %arg3[%dma_start3A_133, %dma_start3A_134] : memref<1000000x64xf32, #tpu.memory_space<hbm>> -> memref<1000000x64xf32, #tpu.memory_space<hbm>>
      %dma_start3A_136 = tpu.memref_slice %arg7[%dma_start3A_125] : memref<8x!tpu.dma_semaphore, #tpu.memory_space<semaphore_mem>> -> memref<1x!tpu.dma_semaphore, #tpu.memory_space<semaphore_mem>>
      %dma_start3A_137 = tpu.memref_squeeze %dma_start3A_136 : memref<1x!tpu.dma_semaphore, #tpu.memory_space<semaphore_mem>> -> memref<!tpu.dma_semaphore, #tpu.memory_space<semaphore_mem>>
      tpu.enqueue_indirect_dma source(%dma_start3A_135 : memref<1000000x64xf32, #tpu.memory_space<hbm>>) target(%dma_start3A_129 : memref<128x64xf32, #tpu.memory_space<vmem>>) offsets(%dma_start3A_132 : memref<128xi32, #tpu.memory_space<vmem>>) semaphore(%dma_start3A_137 : memref<!tpu.dma_semaphore, #tpu.memory_space<semaphore_mem>>)
      %dma_wait3A = arith.constant 0 : i32
      %dma_wait3A_138 = arith.constant 0 : i32
      %dma_wait3A_139 = arith.constant 0 : i32
      %dma_wait3A_140 = arith.constant 0 : i32
      %dma_wait3A_141 = tpu.memref_slice %arg6[%dma_wait3A, %dma_wait3A_139, %dma_wait3A_140] : memref<8x128x64xf32, #tpu.memory_space<vmem>> -> memref<1x128x64xf32, #tpu.memory_space<vmem>>
      %dma_wait3A_142 = tpu.memref_squeeze %dma_wait3A_141 : memref<1x128x64xf32, #tpu.memory_space<vmem>> -> memref<128x64xf32, #tpu.memory_space<vmem>>
      %dma_wait3A_143 = arith.constant 0 : i32
      %dma_wait3A_144 = tpu.memref_slice %arg5[%add3A_12, %dma_wait3A_143] : memref<200x128xi32, #tpu.memory_space<vmem>> -> memref<1x128xi32, #tpu.memory_space<vmem>>
      %dma_wait3A_145 = tpu.memref_squeeze %dma_wait3A_144 : memref<1x128xi32, #tpu.memory_space<vmem>> -> memref<128xi32, #tpu.memory_space<vmem>>
      %dma_wait3A_146 = arith.constant 0 : i32
      %dma_wait3A_147 = arith.constant 0 : i32
      %dma_wait3A_148 = tpu.memref_slice %arg3[%dma_wait3A_146, %dma_wait3A_147] : memref<1000000x64xf32, #tpu.memory_space<hbm>> -> memref<1000000x64xf32, #tpu.memory_space<hbm>>
      %dma_wait3A_149 = tpu.memref_slice %arg7[%dma_wait3A_138] : memref<8x!tpu.dma_semaphore, #tpu.memory_space<semaphore_mem>> -> memref<1x!tpu.dma_semaphore, #tpu.memory_space<semaphore_mem>>
      %dma_wait3A_150 = tpu.memref_squeeze %dma_wait3A_149 : memref<1x!tpu.dma_semaphore, #tpu.memory_space<semaphore_mem>> -> memref<!tpu.dma_semaphore, #tpu.memory_space<semaphore_mem>>
      tpu.wait_indirect_dma semaphore(%dma_wait3A_150 : memref<!tpu.dma_semaphore, #tpu.memory_space<semaphore_mem>>) src(%dma_wait3A_148 : memref<1000000x64xf32, #tpu.memory_space<hbm>>) dst(%dma_wait3A_142 : memref<128x64xf32, #tpu.memory_space<vmem>>)
      %dma_wait3A_151 = arith.constant 1 : i32
      %dma_wait3A_152 = arith.constant 1 : i32
      %dma_wait3A_153 = arith.constant 0 : i32
      %dma_wait3A_154 = arith.constant 0 : i32
      %dma_wait3A_155 = tpu.memref_slice %arg6[%dma_wait3A_151, %dma_wait3A_153, %dma_wait3A_154] : memref<8x128x64xf32, #tpu.memory_space<vmem>> -> memref<1x128x64xf32, #tpu.memory_space<vmem>>
      %dma_wait3A_156 = tpu.memref_squeeze %dma_wait3A_155 : memref<1x128x64xf32, #tpu.memory_space<vmem>> -> memref<128x64xf32, #tpu.memory_space<vmem>>
      %dma_wait3A_157 = arith.constant 0 : i32
      %dma_wait3A_158 = tpu.memref_slice %arg5[%add3A_27, %dma_wait3A_157] : memref<200x128xi32, #tpu.memory_space<vmem>> -> memref<1x128xi32, #tpu.memory_space<vmem>>
      %dma_wait3A_159 = tpu.memref_squeeze %dma_wait3A_158 : memref<1x128xi32, #tpu.memory_space<vmem>> -> memref<128xi32, #tpu.memory_space<vmem>>
      %dma_wait3A_160 = arith.constant 0 : i32
      %dma_wait3A_161 = arith.constant 0 : i32
      %dma_wait3A_162 = tpu.memref_slice %arg3[%dma_wait3A_160, %dma_wait3A_161] : memref<1000000x64xf32, #tpu.memory_space<hbm>> -> memref<1000000x64xf32, #tpu.memory_space<hbm>>
      %dma_wait3A_163 = tpu.memref_slice %arg7[%dma_wait3A_152] : memref<8x!tpu.dma_semaphore, #tpu.memory_space<semaphore_mem>> -> memref<1x!tpu.dma_semaphore, #tpu.memory_space<semaphore_mem>>
      %dma_wait3A_164 = tpu.memref_squeeze %dma_wait3A_163 : memref<1x!tpu.dma_semaphore, #tpu.memory_space<semaphore_mem>> -> memref<!tpu.dma_semaphore, #tpu.memory_space<semaphore_mem>>
      tpu.wait_indirect_dma semaphore(%dma_wait3A_164 : memref<!tpu.dma_semaphore, #tpu.memory_space<semaphore_mem>>) src(%dma_wait3A_162 : memref<1000000x64xf32, #tpu.memory_space<hbm>>) dst(%dma_wait3A_156 : memref<128x64xf32, #tpu.memory_space<vmem>>)
      %dma_wait3A_165 = arith.constant 2 : i32
      %dma_wait3A_166 = arith.constant 2 : i32
      %dma_wait3A_167 = arith.constant 0 : i32
      %dma_wait3A_168 = arith.constant 0 : i32
      %dma_wait3A_169 = tpu.memref_slice %arg6[%dma_wait3A_165, %dma_wait3A_167, %dma_wait3A_168] : memref<8x128x64xf32, #tpu.memory_space<vmem>> -> memref<1x128x64xf32, #tpu.memory_space<vmem>>
      %dma_wait3A_170 = tpu.memref_squeeze %dma_wait3A_169 : memref<1x128x64xf32, #tpu.memory_space<vmem>> -> memref<128x64xf32, #tpu.memory_space<vmem>>
      %dma_wait3A_171 = arith.constant 0 : i32
      %dma_wait3A_172 = tpu.memref_slice %arg5[%add3A_43, %dma_wait3A_171] : memref<200x128xi32, #tpu.memory_space<vmem>> -> memref<1x128xi32, #tpu.memory_space<vmem>>
      %dma_wait3A_173 = tpu.memref_squeeze %dma_wait3A_172 : memref<1x128xi32, #tpu.memory_space<vmem>> -> memref<128xi32, #tpu.memory_space<vmem>>
      %dma_wait3A_174 = arith.constant 0 : i32
      %dma_wait3A_175 = arith.constant 0 : i32
      %dma_wait3A_176 = tpu.memref_slice %arg3[%dma_wait3A_174, %dma_wait3A_175] : memref<1000000x64xf32, #tpu.memory_space<hbm>> -> memref<1000000x64xf32, #tpu.memory_space<hbm>>
      %dma_wait3A_177 = tpu.memref_slice %arg7[%dma_wait3A_166] : memref<8x!tpu.dma_semaphore, #tpu.memory_space<semaphore_mem>> -> memref<1x!tpu.dma_semaphore, #tpu.memory_space<semaphore_mem>>
      %dma_wait3A_178 = tpu.memref_squeeze %dma_wait3A_177 : memref<1x!tpu.dma_semaphore, #tpu.memory_space<semaphore_mem>> -> memref<!tpu.dma_semaphore, #tpu.memory_space<semaphore_mem>>
      tpu.wait_indirect_dma semaphore(%dma_wait3A_178 : memref<!tpu.dma_semaphore, #tpu.memory_space<semaphore_mem>>) src(%dma_wait3A_176 : memref<1000000x64xf32, #tpu.memory_space<hbm>>) dst(%dma_wait3A_170 : memref<128x64xf32, #tpu.memory_space<vmem>>)
      %dma_wait3A_179 = arith.constant 3 : i32
      %dma_wait3A_180 = arith.constant 3 : i32
      %dma_wait3A_181 = arith.constant 0 : i32
      %dma_wait3A_182 = arith.constant 0 : i32
      %dma_wait3A_183 = tpu.memref_slice %arg6[%dma_wait3A_179, %dma_wait3A_181, %dma_wait3A_182] : memref<8x128x64xf32, #tpu.memory_space<vmem>> -> memref<1x128x64xf32, #tpu.memory_space<vmem>>
      %dma_wait3A_184 = tpu.memref_squeeze %dma_wait3A_183 : memref<1x128x64xf32, #tpu.memory_space<vmem>> -> memref<128x64xf32, #tpu.memory_space<vmem>>
      %dma_wait3A_185 = arith.constant 0 : i32
      %dma_wait3A_186 = tpu.memref_slice %arg5[%add3A_59, %dma_wait3A_185] : memref<200x128xi32, #tpu.memory_space<vmem>> -> memref<1x128xi32, #tpu.memory_space<vmem>>
      %dma_wait3A_187 = tpu.memref_squeeze %dma_wait3A_186 : memref<1x128xi32, #tpu.memory_space<vmem>> -> memref<128xi32, #tpu.memory_space<vmem>>
      %dma_wait3A_188 = arith.constant 0 : i32
      %dma_wait3A_189 = arith.constant 0 : i32
      %dma_wait3A_190 = tpu.memref_slice %arg3[%dma_wait3A_188, %dma_wait3A_189] : memref<1000000x64xf32, #tpu.memory_space<hbm>> -> memref<1000000x64xf32, #tpu.memory_space<hbm>>
      %dma_wait3A_191 = tpu.memref_slice %arg7[%dma_wait3A_180] : memref<8x!tpu.dma_semaphore, #tpu.memory_space<semaphore_mem>> -> memref<1x!tpu.dma_semaphore, #tpu.memory_space<semaphore_mem>>
      %dma_wait3A_192 = tpu.memref_squeeze %dma_wait3A_191 : memref<1x!tpu.dma_semaphore, #tpu.memory_space<semaphore_mem>> -> memref<!tpu.dma_semaphore, #tpu.memory_space<semaphore_mem>>
      tpu.wait_indirect_dma semaphore(%dma_wait3A_192 : memref<!tpu.dma_semaphore, #tpu.memory_space<semaphore_mem>>) src(%dma_wait3A_190 : memref<1000000x64xf32, #tpu.memory_space<hbm>>) dst(%dma_wait3A_184 : memref<128x64xf32, #tpu.memory_space<vmem>>)
      %dma_wait3A_193 = arith.constant 4 : i32
      %dma_wait3A_194 = arith.constant 4 : i32
      %dma_wait3A_195 = arith.constant 0 : i32
      %dma_wait3A_196 = arith.constant 0 : i32
      %dma_wait3A_197 = tpu.memref_slice %arg6[%dma_wait3A_193, %dma_wait3A_195, %dma_wait3A_196] : memref<8x128x64xf32, #tpu.memory_space<vmem>> -> memref<1x128x64xf32, #tpu.memory_space<vmem>>
      %dma_wait3A_198 = tpu.memref_squeeze %dma_wait3A_197 : memref<1x128x64xf32, #tpu.memory_space<vmem>> -> memref<128x64xf32, #tpu.memory_space<vmem>>
      %dma_wait3A_199 = arith.constant 0 : i32
      %dma_wait3A_200 = tpu.memref_slice %arg5[%add3A_75, %dma_wait3A_199] : memref<200x128xi32, #tpu.memory_space<vmem>> -> memref<1x128xi32, #tpu.memory_space<vmem>>
      %dma_wait3A_201 = tpu.memref_squeeze %dma_wait3A_200 : memref<1x128xi32, #tpu.memory_space<vmem>> -> memref<128xi32, #tpu.memory_space<vmem>>
      %dma_wait3A_202 = arith.constant 0 : i32
      %dma_wait3A_203 = arith.constant 0 : i32
      %dma_wait3A_204 = tpu.memref_slice %arg3[%dma_wait3A_202, %dma_wait3A_203] : memref<1000000x64xf32, #tpu.memory_space<hbm>> -> memref<1000000x64xf32, #tpu.memory_space<hbm>>
      %dma_wait3A_205 = tpu.memref_slice %arg7[%dma_wait3A_194] : memref<8x!tpu.dma_semaphore, #tpu.memory_space<semaphore_mem>> -> memref<1x!tpu.dma_semaphore, #tpu.memory_space<semaphore_mem>>
      %dma_wait3A_206 = tpu.memref_squeeze %dma_wait3A_205 : memref<1x!tpu.dma_semaphore, #tpu.memory_space<semaphore_mem>> -> memref<!tpu.dma_semaphore, #tpu.memory_space<semaphore_mem>>
      tpu.wait_indirect_dma semaphore(%dma_wait3A_206 : memref<!tpu.dma_semaphore, #tpu.memory_space<semaphore_mem>>) src(%dma_wait3A_204 : memref<1000000x64xf32, #tpu.memory_space<hbm>>) dst(%dma_wait3A_198 : memref<128x64xf32, #tpu.memory_space<vmem>>)
      %dma_wait3A_207 = arith.constant 5 : i32
      %dma_wait3A_208 = arith.constant 5 : i32
      %dma_wait3A_209 = arith.constant 0 : i32
      %dma_wait3A_210 = arith.constant 0 : i32
      %dma_wait3A_211 = tpu.memref_slice %arg6[%dma_wait3A_207, %dma_wait3A_209, %dma_wait3A_210] : memref<8x128x64xf32, #tpu.memory_space<vmem>> -> memref<1x128x64xf32, #tpu.memory_space<vmem>>
      %dma_wait3A_212 = tpu.memref_squeeze %dma_wait3A_211 : memref<1x128x64xf32, #tpu.memory_space<vmem>> -> memref<128x64xf32, #tpu.memory_space<vmem>>
      %dma_wait3A_213 = arith.constant 0 : i32
      %dma_wait3A_214 = tpu.memref_slice %arg5[%add3A_91, %dma_wait3A_213] : memref<200x128xi32, #tpu.memory_space<vmem>> -> memref<1x128xi32, #tpu.memory_space<vmem>>
      %dma_wait3A_215 = tpu.memref_squeeze %dma_wait3A_214 : memref<1x128xi32, #tpu.memory_space<vmem>> -> memref<128xi32, #tpu.memory_space<vmem>>
      %dma_wait3A_216 = arith.constant 0 : i32
      %dma_wait3A_217 = arith.constant 0 : i32
      %dma_wait3A_218 = tpu.memref_slice %arg3[%dma_wait3A_216, %dma_wait3A_217] : memref<1000000x64xf32, #tpu.memory_space<hbm>> -> memref<1000000x64xf32, #tpu.memory_space<hbm>>
      %dma_wait3A_219 = tpu.memref_slice %arg7[%dma_wait3A_208] : memref<8x!tpu.dma_semaphore, #tpu.memory_space<semaphore_mem>> -> memref<1x!tpu.dma_semaphore, #tpu.memory_space<semaphore_mem>>
      %dma_wait3A_220 = tpu.memref_squeeze %dma_wait3A_219 : memref<1x!tpu.dma_semaphore, #tpu.memory_space<semaphore_mem>> -> memref<!tpu.dma_semaphore, #tpu.memory_space<semaphore_mem>>
      tpu.wait_indirect_dma semaphore(%dma_wait3A_220 : memref<!tpu.dma_semaphore, #tpu.memory_space<semaphore_mem>>) src(%dma_wait3A_218 : memref<1000000x64xf32, #tpu.memory_space<hbm>>) dst(%dma_wait3A_212 : memref<128x64xf32, #tpu.memory_space<vmem>>)
      %dma_wait3A_221 = arith.constant 6 : i32
      %dma_wait3A_222 = arith.constant 6 : i32
      %dma_wait3A_223 = arith.constant 0 : i32
      %dma_wait3A_224 = arith.constant 0 : i32
      %dma_wait3A_225 = tpu.memref_slice %arg6[%dma_wait3A_221, %dma_wait3A_223, %dma_wait3A_224] : memref<8x128x64xf32, #tpu.memory_space<vmem>> -> memref<1x128x64xf32, #tpu.memory_space<vmem>>
      %dma_wait3A_226 = tpu.memref_squeeze %dma_wait3A_225 : memref<1x128x64xf32, #tpu.memory_space<vmem>> -> memref<128x64xf32, #tpu.memory_space<vmem>>
      %dma_wait3A_227 = arith.constant 0 : i32
      %dma_wait3A_228 = tpu.memref_slice %arg5[%add3A_107, %dma_wait3A_227] : memref<200x128xi32, #tpu.memory_space<vmem>> -> memref<1x128xi32, #tpu.memory_space<vmem>>
      %dma_wait3A_229 = tpu.memref_squeeze %dma_wait3A_228 : memref<1x128xi32, #tpu.memory_space<vmem>> -> memref<128xi32, #tpu.memory_space<vmem>>
      %dma_wait3A_230 = arith.constant 0 : i32
      %dma_wait3A_231 = arith.constant 0 : i32
      %dma_wait3A_232 = tpu.memref_slice %arg3[%dma_wait3A_230, %dma_wait3A_231] : memref<1000000x64xf32, #tpu.memory_space<hbm>> -> memref<1000000x64xf32, #tpu.memory_space<hbm>>
      %dma_wait3A_233 = tpu.memref_slice %arg7[%dma_wait3A_222] : memref<8x!tpu.dma_semaphore, #tpu.memory_space<semaphore_mem>> -> memref<1x!tpu.dma_semaphore, #tpu.memory_space<semaphore_mem>>
      %dma_wait3A_234 = tpu.memref_squeeze %dma_wait3A_233 : memref<1x!tpu.dma_semaphore, #tpu.memory_space<semaphore_mem>> -> memref<!tpu.dma_semaphore, #tpu.memory_space<semaphore_mem>>
      tpu.wait_indirect_dma semaphore(%dma_wait3A_234 : memref<!tpu.dma_semaphore, #tpu.memory_space<semaphore_mem>>) src(%dma_wait3A_232 : memref<1000000x64xf32, #tpu.memory_space<hbm>>) dst(%dma_wait3A_226 : memref<128x64xf32, #tpu.memory_space<vmem>>)
      %dma_wait3A_235 = arith.constant 7 : i32
      %dma_wait3A_236 = arith.constant 7 : i32
      %dma_wait3A_237 = arith.constant 0 : i32
      %dma_wait3A_238 = arith.constant 0 : i32
      %dma_wait3A_239 = tpu.memref_slice %arg6[%dma_wait3A_235, %dma_wait3A_237, %dma_wait3A_238] : memref<8x128x64xf32, #tpu.memory_space<vmem>> -> memref<1x128x64xf32, #tpu.memory_space<vmem>>
      %dma_wait3A_240 = tpu.memref_squeeze %dma_wait3A_239 : memref<1x128x64xf32, #tpu.memory_space<vmem>> -> memref<128x64xf32, #tpu.memory_space<vmem>>
      %dma_wait3A_241 = arith.constant 0 : i32
      %dma_wait3A_242 = tpu.memref_slice %arg5[%add3A_123, %dma_wait3A_241] : memref<200x128xi32, #tpu.memory_space<vmem>> -> memref<1x128xi32, #tpu.memory_space<vmem>>
      %dma_wait3A_243 = tpu.memref_squeeze %dma_wait3A_242 : memref<1x128xi32, #tpu.memory_space<vmem>> -> memref<128xi32, #tpu.memory_space<vmem>>
      %dma_wait3A_244 = arith.constant 0 : i32
      %dma_wait3A_245 = arith.constant 0 : i32
      %dma_wait3A_246 = tpu.memref_slice %arg3[%dma_wait3A_244, %dma_wait3A_245] : memref<1000000x64xf32, #tpu.memory_space<hbm>> -> memref<1000000x64xf32, #tpu.memory_space<hbm>>
      %dma_wait3A_247 = tpu.memref_slice %arg7[%dma_wait3A_236] : memref<8x!tpu.dma_semaphore, #tpu.memory_space<semaphore_mem>> -> memref<1x!tpu.dma_semaphore, #tpu.memory_space<semaphore_mem>>
      %dma_wait3A_248 = tpu.memref_squeeze %dma_wait3A_247 : memref<1x!tpu.dma_semaphore, #tpu.memory_space<semaphore_mem>> -> memref<!tpu.dma_semaphore, #tpu.memory_space<semaphore_mem>>
      tpu.wait_indirect_dma semaphore(%dma_wait3A_248 : memref<!tpu.dma_semaphore, #tpu.memory_space<semaphore_mem>>) src(%dma_wait3A_246 : memref<1000000x64xf32, #tpu.memory_space<hbm>>) dst(%dma_wait3A_240 : memref<128x64xf32, #tpu.memory_space<vmem>>)
      %add3A_249 = arith.addi %mul3A_2, %mul3A_10 : i32
      %add3A_250 = arith.constant 0 : i32
      %add3A_251 = arith.addi %add3A_249, %add3A_250 : i32
      %mul3A_252 = arith.constant 128 : i32
      %mul3A_253 = arith.muli %add3A_251, %mul3A_252 : i32
      %dma_start3A_254 = arith.constant 0 : i32
      %dma_start3A_255 = arith.constant 0 : i32
      %dma_start3A_256 = arith.constant 0 : i32
      %dma_start3A_257 = arith.constant 0 : i32
      %dma_start3A_258 = tpu.memref_slice %arg6[%dma_start3A_254, %dma_start3A_256, %dma_start3A_257] : memref<8x128x64xf32, #tpu.memory_space<vmem>> -> memref<1x128x64xf32, #tpu.memory_space<vmem>>
      %dma_start3A_259 = tpu.memref_squeeze %dma_start3A_258 : memref<1x128x64xf32, #tpu.memory_space<vmem>> -> memref<128x64xf32, #tpu.memory_space<vmem>>
      %dma_start3A_260 = arith.constant 0 : i32
      %dma_start3A_261 = tpu.memref_slice %arg4[%mul3A_253, %dma_start3A_260] : memref<819200x64xf32, #tpu.memory_space<hbm>> -> memref<128x64xf32, #tpu.memory_space<hbm>>
      %dma_start3A_262 = tpu.memref_slice %arg8[%dma_start3A_255] : memref<8x!tpu.dma_semaphore, #tpu.memory_space<semaphore_mem>> -> memref<1x!tpu.dma_semaphore, #tpu.memory_space<semaphore_mem>>
      %dma_start3A_263 = tpu.memref_squeeze %dma_start3A_262 : memref<1x!tpu.dma_semaphore, #tpu.memory_space<semaphore_mem>> -> memref<!tpu.dma_semaphore, #tpu.memory_space<semaphore_mem>>
      %dma_start3A_264 = arith.constant 0 : i32
      %dma_start3A_265 = tpu.memref_slice %arg4[%mul3A_253, %dma_start3A_264] : memref<819200x64xf32, #tpu.memory_space<hbm>> -> memref<128x64xf32, #tpu.memory_space<hbm>>
      %dma_start3A_266 = arith.constant 0 : i32
      %dma_start3A_267 = arith.constant 0 : i32
      %dma_start3A_268 = tpu.memref_slice %arg6[%dma_start3A_254, %dma_start3A_266, %dma_start3A_267] : memref<8x128x64xf32, #tpu.memory_space<vmem>> -> memref<1x128x64xf32, #tpu.memory_space<vmem>>
      %dma_start3A_269 = tpu.memref_squeeze %dma_start3A_268 : memref<1x128x64xf32, #tpu.memory_space<vmem>> -> memref<128x64xf32, #tpu.memory_space<vmem>>
      tpu.enqueue_dma source(%dma_start3A_269 : memref<128x64xf32, #tpu.memory_space<vmem>>) target(%dma_start3A_265 : memref<128x64xf32, #tpu.memory_space<hbm>>) target_semaphore(%dma_start3A_263 : memref<!tpu.dma_semaphore, #tpu.memory_space<semaphore_mem>>)
      %add3A_270 = arith.addi %mul3A_2, %mul3A_10 : i32
      %add3A_271 = arith.constant 1 : i32
      %add3A_272 = arith.addi %add3A_270, %add3A_271 : i32
      %mul3A_273 = arith.constant 128 : i32
      %mul3A_274 = arith.muli %add3A_272, %mul3A_273 : i32
      %dma_start3A_275 = arith.constant 1 : i32
      %dma_start3A_276 = arith.constant 1 : i32
      %dma_start3A_277 = arith.constant 0 : i32
      %dma_start3A_278 = arith.constant 0 : i32
      %dma_start3A_279 = tpu.memref_slice %arg6[%dma_start3A_275, %dma_start3A_277, %dma_start3A_278] : memref<8x128x64xf32, #tpu.memory_space<vmem>> -> memref<1x128x64xf32, #tpu.memory_space<vmem>>
      %dma_start3A_280 = tpu.memref_squeeze %dma_start3A_279 : memref<1x128x64xf32, #tpu.memory_space<vmem>> -> memref<128x64xf32, #tpu.memory_space<vmem>>
      %dma_start3A_281 = arith.constant 0 : i32
      %dma_start3A_282 = tpu.memref_slice %arg4[%mul3A_274, %dma_start3A_281] : memref<819200x64xf32, #tpu.memory_space<hbm>> -> memref<128x64xf32, #tpu.memory_space<hbm>>
      %dma_start3A_283 = tpu.memref_slice %arg8[%dma_start3A_276] : memref<8x!tpu.dma_semaphore, #tpu.memory_space<semaphore_mem>> -> memref<1x!tpu.dma_semaphore, #tpu.memory_space<semaphore_mem>>
      %dma_start3A_284 = tpu.memref_squeeze %dma_start3A_283 : memref<1x!tpu.dma_semaphore, #tpu.memory_space<semaphore_mem>> -> memref<!tpu.dma_semaphore, #tpu.memory_space<semaphore_mem>>
      %dma_start3A_285 = arith.constant 0 : i32
      %dma_start3A_286 = tpu.memref_slice %arg4[%mul3A_274, %dma_start3A_285] : memref<819200x64xf32, #tpu.memory_space<hbm>> -> memref<128x64xf32, #tpu.memory_space<hbm>>
      %dma_start3A_287 = arith.constant 0 : i32
      %dma_start3A_288 = arith.constant 0 : i32
      %dma_start3A_289 = tpu.memref_slice %arg6[%dma_start3A_275, %dma_start3A_287, %dma_start3A_288] : memref<8x128x64xf32, #tpu.memory_space<vmem>> -> memref<1x128x64xf32, #tpu.memory_space<vmem>>
      %dma_start3A_290 = tpu.memref_squeeze %dma_start3A_289 : memref<1x128x64xf32, #tpu.memory_space<vmem>> -> memref<128x64xf32, #tpu.memory_space<vmem>>
      tpu.enqueue_dma source(%dma_start3A_290 : memref<128x64xf32, #tpu.memory_space<vmem>>) target(%dma_start3A_286 : memref<128x64xf32, #tpu.memory_space<hbm>>) target_semaphore(%dma_start3A_284 : memref<!tpu.dma_semaphore, #tpu.memory_space<semaphore_mem>>)
      %add3A_291 = arith.addi %mul3A_2, %mul3A_10 : i32
      %add3A_292 = arith.constant 2 : i32
      %add3A_293 = arith.addi %add3A_291, %add3A_292 : i32
      %mul3A_294 = arith.constant 128 : i32
      %mul3A_295 = arith.muli %add3A_293, %mul3A_294 : i32
      %dma_start3A_296 = arith.constant 2 : i32
      %dma_start3A_297 = arith.constant 2 : i32
      %dma_start3A_298 = arith.constant 0 : i32
      %dma_start3A_299 = arith.constant 0 : i32
      %dma_start3A_300 = tpu.memref_slice %arg6[%dma_start3A_296, %dma_start3A_298, %dma_start3A_299] : memref<8x128x64xf32, #tpu.memory_space<vmem>> -> memref<1x128x64xf32, #tpu.memory_space<vmem>>
      %dma_start3A_301 = tpu.memref_squeeze %dma_start3A_300 : memref<1x128x64xf32, #tpu.memory_space<vmem>> -> memref<128x64xf32, #tpu.memory_space<vmem>>
      %dma_start3A_302 = arith.constant 0 : i32
      %dma_start3A_303 = tpu.memref_slice %arg4[%mul3A_295, %dma_start3A_302] : memref<819200x64xf32, #tpu.memory_space<hbm>> -> memref<128x64xf32, #tpu.memory_space<hbm>>
      %dma_start3A_304 = tpu.memref_slice %arg8[%dma_start3A_297] : memref<8x!tpu.dma_semaphore, #tpu.memory_space<semaphore_mem>> -> memref<1x!tpu.dma_semaphore, #tpu.memory_space<semaphore_mem>>
      %dma_start3A_305 = tpu.memref_squeeze %dma_start3A_304 : memref<1x!tpu.dma_semaphore, #tpu.memory_space<semaphore_mem>> -> memref<!tpu.dma_semaphore, #tpu.memory_space<semaphore_mem>>
      %dma_start3A_306 = arith.constant 0 : i32
      %dma_start3A_307 = tpu.memref_slice %arg4[%mul3A_295, %dma_start3A_306] : memref<819200x64xf32, #tpu.memory_space<hbm>> -> memref<128x64xf32, #tpu.memory_space<hbm>>
      %dma_start3A_308 = arith.constant 0 : i32
      %dma_start3A_309 = arith.constant 0 : i32
      %dma_start3A_310 = tpu.memref_slice %arg6[%dma_start3A_296, %dma_start3A_308, %dma_start3A_309] : memref<8x128x64xf32, #tpu.memory_space<vmem>> -> memref<1x128x64xf32, #tpu.memory_space<vmem>>
      %dma_start3A_311 = tpu.memref_squeeze %dma_start3A_310 : memref<1x128x64xf32, #tpu.memory_space<vmem>> -> memref<128x64xf32, #tpu.memory_space<vmem>>
      tpu.enqueue_dma source(%dma_start3A_311 : memref<128x64xf32, #tpu.memory_space<vmem>>) target(%dma_start3A_307 : memref<128x64xf32, #tpu.memory_space<hbm>>) target_semaphore(%dma_start3A_305 : memref<!tpu.dma_semaphore, #tpu.memory_space<semaphore_mem>>)
      %add3A_312 = arith.addi %mul3A_2, %mul3A_10 : i32
      %add3A_313 = arith.constant 3 : i32
      %add3A_314 = arith.addi %add3A_312, %add3A_313 : i32
      %mul3A_315 = arith.constant 128 : i32
      %mul3A_316 = arith.muli %add3A_314, %mul3A_315 : i32
      %dma_start3A_317 = arith.constant 3 : i32
      %dma_start3A_318 = arith.constant 3 : i32
      %dma_start3A_319 = arith.constant 0 : i32
      %dma_start3A_320 = arith.constant 0 : i32
      %dma_start3A_321 = tpu.memref_slice %arg6[%dma_start3A_317, %dma_start3A_319, %dma_start3A_320] : memref<8x128x64xf32, #tpu.memory_space<vmem>> -> memref<1x128x64xf32, #tpu.memory_space<vmem>>
      %dma_start3A_322 = tpu.memref_squeeze %dma_start3A_321 : memref<1x128x64xf32, #tpu.memory_space<vmem>> -> memref<128x64xf32, #tpu.memory_space<vmem>>
      %dma_start3A_323 = arith.constant 0 : i32
      %dma_start3A_324 = tpu.memref_slice %arg4[%mul3A_316, %dma_start3A_323] : memref<819200x64xf32, #tpu.memory_space<hbm>> -> memref<128x64xf32, #tpu.memory_space<hbm>>
      %dma_start3A_325 = tpu.memref_slice %arg8[%dma_start3A_318] : memref<8x!tpu.dma_semaphore, #tpu.memory_space<semaphore_mem>> -> memref<1x!tpu.dma_semaphore, #tpu.memory_space<semaphore_mem>>
      %dma_start3A_326 = tpu.memref_squeeze %dma_start3A_325 : memref<1x!tpu.dma_semaphore, #tpu.memory_space<semaphore_mem>> -> memref<!tpu.dma_semaphore, #tpu.memory_space<semaphore_mem>>
      %dma_start3A_327 = arith.constant 0 : i32
      %dma_start3A_328 = tpu.memref_slice %arg4[%mul3A_316, %dma_start3A_327] : memref<819200x64xf32, #tpu.memory_space<hbm>> -> memref<128x64xf32, #tpu.memory_space<hbm>>
      %dma_start3A_329 = arith.constant 0 : i32
      %dma_start3A_330 = arith.constant 0 : i32
      %dma_start3A_331 = tpu.memref_slice %arg6[%dma_start3A_317, %dma_start3A_329, %dma_start3A_330] : memref<8x128x64xf32, #tpu.memory_space<vmem>> -> memref<1x128x64xf32, #tpu.memory_space<vmem>>
      %dma_start3A_332 = tpu.memref_squeeze %dma_start3A_331 : memref<1x128x64xf32, #tpu.memory_space<vmem>> -> memref<128x64xf32, #tpu.memory_space<vmem>>
      tpu.enqueue_dma source(%dma_start3A_332 : memref<128x64xf32, #tpu.memory_space<vmem>>) target(%dma_start3A_328 : memref<128x64xf32, #tpu.memory_space<hbm>>) target_semaphore(%dma_start3A_326 : memref<!tpu.dma_semaphore, #tpu.memory_space<semaphore_mem>>)
      %add3A_333 = arith.addi %mul3A_2, %mul3A_10 : i32
      %add3A_334 = arith.constant 4 : i32
      %add3A_335 = arith.addi %add3A_333, %add3A_334 : i32
      %mul3A_336 = arith.constant 128 : i32
      %mul3A_337 = arith.muli %add3A_335, %mul3A_336 : i32
      %dma_start3A_338 = arith.constant 4 : i32
      %dma_start3A_339 = arith.constant 4 : i32
      %dma_start3A_340 = arith.constant 0 : i32
      %dma_start3A_341 = arith.constant 0 : i32
      %dma_start3A_342 = tpu.memref_slice %arg6[%dma_start3A_338, %dma_start3A_340, %dma_start3A_341] : memref<8x128x64xf32, #tpu.memory_space<vmem>> -> memref<1x128x64xf32, #tpu.memory_space<vmem>>
      %dma_start3A_343 = tpu.memref_squeeze %dma_start3A_342 : memref<1x128x64xf32, #tpu.memory_space<vmem>> -> memref<128x64xf32, #tpu.memory_space<vmem>>
      %dma_start3A_344 = arith.constant 0 : i32
      %dma_start3A_345 = tpu.memref_slice %arg4[%mul3A_337, %dma_start3A_344] : memref<819200x64xf32, #tpu.memory_space<hbm>> -> memref<128x64xf32, #tpu.memory_space<hbm>>
      %dma_start3A_346 = tpu.memref_slice %arg8[%dma_start3A_339] : memref<8x!tpu.dma_semaphore, #tpu.memory_space<semaphore_mem>> -> memref<1x!tpu.dma_semaphore, #tpu.memory_space<semaphore_mem>>
      %dma_start3A_347 = tpu.memref_squeeze %dma_start3A_346 : memref<1x!tpu.dma_semaphore, #tpu.memory_space<semaphore_mem>> -> memref<!tpu.dma_semaphore, #tpu.memory_space<semaphore_mem>>
      %dma_start3A_348 = arith.constant 0 : i32
      %dma_start3A_349 = tpu.memref_slice %arg4[%mul3A_337, %dma_start3A_348] : memref<819200x64xf32, #tpu.memory_space<hbm>> -> memref<128x64xf32, #tpu.memory_space<hbm>>
      %dma_start3A_350 = arith.constant 0 : i32
      %dma_start3A_351 = arith.constant 0 : i32
      %dma_start3A_352 = tpu.memref_slice %arg6[%dma_start3A_338, %dma_start3A_350, %dma_start3A_351] : memref<8x128x64xf32, #tpu.memory_space<vmem>> -> memref<1x128x64xf32, #tpu.memory_space<vmem>>
      %dma_start3A_353 = tpu.memref_squeeze %dma_start3A_352 : memref<1x128x64xf32, #tpu.memory_space<vmem>> -> memref<128x64xf32, #tpu.memory_space<vmem>>
      tpu.enqueue_dma source(%dma_start3A_353 : memref<128x64xf32, #tpu.memory_space<vmem>>) target(%dma_start3A_349 : memref<128x64xf32, #tpu.memory_space<hbm>>) target_semaphore(%dma_start3A_347 : memref<!tpu.dma_semaphore, #tpu.memory_space<semaphore_mem>>)
      %add3A_354 = arith.addi %mul3A_2, %mul3A_10 : i32
      %add3A_355 = arith.constant 5 : i32
      %add3A_356 = arith.addi %add3A_354, %add3A_355 : i32
      %mul3A_357 = arith.constant 128 : i32
      %mul3A_358 = arith.muli %add3A_356, %mul3A_357 : i32
      %dma_start3A_359 = arith.constant 5 : i32
      %dma_start3A_360 = arith.constant 5 : i32
      %dma_start3A_361 = arith.constant 0 : i32
      %dma_start3A_362 = arith.constant 0 : i32
      %dma_start3A_363 = tpu.memref_slice %arg6[%dma_start3A_359, %dma_start3A_361, %dma_start3A_362] : memref<8x128x64xf32, #tpu.memory_space<vmem>> -> memref<1x128x64xf32, #tpu.memory_space<vmem>>
      %dma_start3A_364 = tpu.memref_squeeze %dma_start3A_363 : memref<1x128x64xf32, #tpu.memory_space<vmem>> -> memref<128x64xf32, #tpu.memory_space<vmem>>
      %dma_start3A_365 = arith.constant 0 : i32
      %dma_start3A_366 = tpu.memref_slice %arg4[%mul3A_358, %dma_start3A_365] : memref<819200x64xf32, #tpu.memory_space<hbm>> -> memref<128x64xf32, #tpu.memory_space<hbm>>
      %dma_start3A_367 = tpu.memref_slice %arg8[%dma_start3A_360] : memref<8x!tpu.dma_semaphore, #tpu.memory_space<semaphore_mem>> -> memref<1x!tpu.dma_semaphore, #tpu.memory_space<semaphore_mem>>
      %dma_start3A_368 = tpu.memref_squeeze %dma_start3A_367 : memref<1x!tpu.dma_semaphore, #tpu.memory_space<semaphore_mem>> -> memref<!tpu.dma_semaphore, #tpu.memory_space<semaphore_mem>>
      %dma_start3A_369 = arith.constant 0 : i32
      %dma_start3A_370 = tpu.memref_slice %arg4[%mul3A_358, %dma_start3A_369] : memref<819200x64xf32, #tpu.memory_space<hbm>> -> memref<128x64xf32, #tpu.memory_space<hbm>>
      %dma_start3A_371 = arith.constant 0 : i32
      %dma_start3A_372 = arith.constant 0 : i32
      %dma_start3A_373 = tpu.memref_slice %arg6[%dma_start3A_359, %dma_start3A_371, %dma_start3A_372] : memref<8x128x64xf32, #tpu.memory_space<vmem>> -> memref<1x128x64xf32, #tpu.memory_space<vmem>>
      %dma_start3A_374 = tpu.memref_squeeze %dma_start3A_373 : memref<1x128x64xf32, #tpu.memory_space<vmem>> -> memref<128x64xf32, #tpu.memory_space<vmem>>
      tpu.enqueue_dma source(%dma_start3A_374 : memref<128x64xf32, #tpu.memory_space<vmem>>) target(%dma_start3A_370 : memref<128x64xf32, #tpu.memory_space<hbm>>) target_semaphore(%dma_start3A_368 : memref<!tpu.dma_semaphore, #tpu.memory_space<semaphore_mem>>)
      %add3A_375 = arith.addi %mul3A_2, %mul3A_10 : i32
      %add3A_376 = arith.constant 6 : i32
      %add3A_377 = arith.addi %add3A_375, %add3A_376 : i32
      %mul3A_378 = arith.constant 128 : i32
      %mul3A_379 = arith.muli %add3A_377, %mul3A_378 : i32
      %dma_start3A_380 = arith.constant 6 : i32
      %dma_start3A_381 = arith.constant 6 : i32
      %dma_start3A_382 = arith.constant 0 : i32
      %dma_start3A_383 = arith.constant 0 : i32
      %dma_start3A_384 = tpu.memref_slice %arg6[%dma_start3A_380, %dma_start3A_382, %dma_start3A_383] : memref<8x128x64xf32, #tpu.memory_space<vmem>> -> memref<1x128x64xf32, #tpu.memory_space<vmem>>
      %dma_start3A_385 = tpu.memref_squeeze %dma_start3A_384 : memref<1x128x64xf32, #tpu.memory_space<vmem>> -> memref<128x64xf32, #tpu.memory_space<vmem>>
      %dma_start3A_386 = arith.constant 0 : i32
      %dma_start3A_387 = tpu.memref_slice %arg4[%mul3A_379, %dma_start3A_386] : memref<819200x64xf32, #tpu.memory_space<hbm>> -> memref<128x64xf32, #tpu.memory_space<hbm>>
      %dma_start3A_388 = tpu.memref_slice %arg8[%dma_start3A_381] : memref<8x!tpu.dma_semaphore, #tpu.memory_space<semaphore_mem>> -> memref<1x!tpu.dma_semaphore, #tpu.memory_space<semaphore_mem>>
      %dma_start3A_389 = tpu.memref_squeeze %dma_start3A_388 : memref<1x!tpu.dma_semaphore, #tpu.memory_space<semaphore_mem>> -> memref<!tpu.dma_semaphore, #tpu.memory_space<semaphore_mem>>
      %dma_start3A_390 = arith.constant 0 : i32
      %dma_start3A_391 = tpu.memref_slice %arg4[%mul3A_379, %dma_start3A_390] : memref<819200x64xf32, #tpu.memory_space<hbm>> -> memref<128x64xf32, #tpu.memory_space<hbm>>
      %dma_start3A_392 = arith.constant 0 : i32
      %dma_start3A_393 = arith.constant 0 : i32
      %dma_start3A_394 = tpu.memref_slice %arg6[%dma_start3A_380, %dma_start3A_392, %dma_start3A_393] : memref<8x128x64xf32, #tpu.memory_space<vmem>> -> memref<1x128x64xf32, #tpu.memory_space<vmem>>
      %dma_start3A_395 = tpu.memref_squeeze %dma_start3A_394 : memref<1x128x64xf32, #tpu.memory_space<vmem>> -> memref<128x64xf32, #tpu.memory_space<vmem>>
      tpu.enqueue_dma source(%dma_start3A_395 : memref<128x64xf32, #tpu.memory_space<vmem>>) target(%dma_start3A_391 : memref<128x64xf32, #tpu.memory_space<hbm>>) target_semaphore(%dma_start3A_389 : memref<!tpu.dma_semaphore, #tpu.memory_space<semaphore_mem>>)
      %add3A_396 = arith.addi %mul3A_2, %mul3A_10 : i32
      %add3A_397 = arith.constant 7 : i32
      %add3A_398 = arith.addi %add3A_396, %add3A_397 : i32
      %mul3A_399 = arith.constant 128 : i32
      %mul3A_400 = arith.muli %add3A_398, %mul3A_399 : i32
      %dma_start3A_401 = arith.constant 7 : i32
      %dma_start3A_402 = arith.constant 7 : i32
      %dma_start3A_403 = arith.constant 0 : i32
      %dma_start3A_404 = arith.constant 0 : i32
      %dma_start3A_405 = tpu.memref_slice %arg6[%dma_start3A_401, %dma_start3A_403, %dma_start3A_404] : memref<8x128x64xf32, #tpu.memory_space<vmem>> -> memref<1x128x64xf32, #tpu.memory_space<vmem>>
      %dma_start3A_406 = tpu.memref_squeeze %dma_start3A_405 : memref<1x128x64xf32, #tpu.memory_space<vmem>> -> memref<128x64xf32, #tpu.memory_space<vmem>>
      %dma_start3A_407 = arith.constant 0 : i32
      %dma_start3A_408 = tpu.memref_slice %arg4[%mul3A_400, %dma_start3A_407] : memref<819200x64xf32, #tpu.memory_space<hbm>> -> memref<128x64xf32, #tpu.memory_space<hbm>>
      %dma_start3A_409 = tpu.memref_slice %arg8[%dma_start3A_402] : memref<8x!tpu.dma_semaphore, #tpu.memory_space<semaphore_mem>> -> memref<1x!tpu.dma_semaphore, #tpu.memory_space<semaphore_mem>>
      %dma_start3A_410 = tpu.memref_squeeze %dma_start3A_409 : memref<1x!tpu.dma_semaphore, #tpu.memory_space<semaphore_mem>> -> memref<!tpu.dma_semaphore, #tpu.memory_space<semaphore_mem>>
      %dma_start3A_411 = arith.constant 0 : i32
      %dma_start3A_412 = tpu.memref_slice %arg4[%mul3A_400, %dma_start3A_411] : memref<819200x64xf32, #tpu.memory_space<hbm>> -> memref<128x64xf32, #tpu.memory_space<hbm>>
      %dma_start3A_413 = arith.constant 0 : i32
      %dma_start3A_414 = arith.constant 0 : i32
      %dma_start3A_415 = tpu.memref_slice %arg6[%dma_start3A_401, %dma_start3A_413, %dma_start3A_414] : memref<8x128x64xf32, #tpu.memory_space<vmem>> -> memref<1x128x64xf32, #tpu.memory_space<vmem>>
      %dma_start3A_416 = tpu.memref_squeeze %dma_start3A_415 : memref<1x128x64xf32, #tpu.memory_space<vmem>> -> memref<128x64xf32, #tpu.memory_space<vmem>>
      tpu.enqueue_dma source(%dma_start3A_416 : memref<128x64xf32, #tpu.memory_space<vmem>>) target(%dma_start3A_412 : memref<128x64xf32, #tpu.memory_space<hbm>>) target_semaphore(%dma_start3A_410 : memref<!tpu.dma_semaphore, #tpu.memory_space<semaphore_mem>>)
      %dma_wait3A_417 = arith.constant 0 : i32
      %dma_wait3A_418 = arith.constant 0 : i32
      %dma_wait3A_419 = arith.constant 0 : i32
      %dma_wait3A_420 = arith.constant 0 : i32
      %dma_wait3A_421 = tpu.memref_slice %arg6[%dma_wait3A_417, %dma_wait3A_419, %dma_wait3A_420] : memref<8x128x64xf32, #tpu.memory_space<vmem>> -> memref<1x128x64xf32, #tpu.memory_space<vmem>>
      %dma_wait3A_422 = tpu.memref_squeeze %dma_wait3A_421 : memref<1x128x64xf32, #tpu.memory_space<vmem>> -> memref<128x64xf32, #tpu.memory_space<vmem>>
      %dma_wait3A_423 = arith.constant 0 : i32
      %dma_wait3A_424 = tpu.memref_slice %arg4[%mul3A_253, %dma_wait3A_423] : memref<819200x64xf32, #tpu.memory_space<hbm>> -> memref<128x64xf32, #tpu.memory_space<hbm>>
      %dma_wait3A_425 = tpu.memref_slice %arg8[%dma_wait3A_418] : memref<8x!tpu.dma_semaphore, #tpu.memory_space<semaphore_mem>> -> memref<1x!tpu.dma_semaphore, #tpu.memory_space<semaphore_mem>>
      %dma_wait3A_426 = tpu.memref_squeeze %dma_wait3A_425 : memref<1x!tpu.dma_semaphore, #tpu.memory_space<semaphore_mem>> -> memref<!tpu.dma_semaphore, #tpu.memory_space<semaphore_mem>>
      %dma_wait3A_427 = arith.constant 0 : i32
      %dma_wait3A_428 = tpu.memref_slice %arg4[%mul3A_253, %dma_wait3A_427] : memref<819200x64xf32, #tpu.memory_space<hbm>> -> memref<128x64xf32, #tpu.memory_space<hbm>>
      %dma_wait3A_429 = arith.constant 0 : i32
      %dma_wait3A_430 = arith.constant 0 : i32
      %dma_wait3A_431 = tpu.memref_slice %arg6[%dma_wait3A_417, %dma_wait3A_429, %dma_wait3A_430] : memref<8x128x64xf32, #tpu.memory_space<vmem>> -> memref<1x128x64xf32, #tpu.memory_space<vmem>>
      %dma_wait3A_432 = tpu.memref_squeeze %dma_wait3A_431 : memref<1x128x64xf32, #tpu.memory_space<vmem>> -> memref<128x64xf32, #tpu.memory_space<vmem>>
      tpu.wait_dma2 semaphore(%dma_wait3A_426 : memref<!tpu.dma_semaphore, #tpu.memory_space<semaphore_mem>>) src(%dma_wait3A_432 : memref<128x64xf32, #tpu.memory_space<vmem>>) dst(%dma_wait3A_428 : memref<128x64xf32, #tpu.memory_space<hbm>>)
      %dma_wait3A_433 = arith.constant 1 : i32
      %dma_wait3A_434 = arith.constant 1 : i32
      %dma_wait3A_435 = arith.constant 0 : i32
      %dma_wait3A_436 = arith.constant 0 : i32
      %dma_wait3A_437 = tpu.memref_slice %arg6[%dma_wait3A_433, %dma_wait3A_435, %dma_wait3A_436] : memref<8x128x64xf32, #tpu.memory_space<vmem>> -> memref<1x128x64xf32, #tpu.memory_space<vmem>>
      %dma_wait3A_438 = tpu.memref_squeeze %dma_wait3A_437 : memref<1x128x64xf32, #tpu.memory_space<vmem>> -> memref<128x64xf32, #tpu.memory_space<vmem>>
      %dma_wait3A_439 = arith.constant 0 : i32
      %dma_wait3A_440 = tpu.memref_slice %arg4[%mul3A_274, %dma_wait3A_439] : memref<819200x64xf32, #tpu.memory_space<hbm>> -> memref<128x64xf32, #tpu.memory_space<hbm>>
      %dma_wait3A_441 = tpu.memref_slice %arg8[%dma_wait3A_434] : memref<8x!tpu.dma_semaphore, #tpu.memory_space<semaphore_mem>> -> memref<1x!tpu.dma_semaphore, #tpu.memory_space<semaphore_mem>>
      %dma_wait3A_442 = tpu.memref_squeeze %dma_wait3A_441 : memref<1x!tpu.dma_semaphore, #tpu.memory_space<semaphore_mem>> -> memref<!tpu.dma_semaphore, #tpu.memory_space<semaphore_mem>>
      %dma_wait3A_443 = arith.constant 0 : i32
      %dma_wait3A_444 = tpu.memref_slice %arg4[%mul3A_274, %dma_wait3A_443] : memref<819200x64xf32, #tpu.memory_space<hbm>> -> memref<128x64xf32, #tpu.memory_space<hbm>>
      %dma_wait3A_445 = arith.constant 0 : i32
      %dma_wait3A_446 = arith.constant 0 : i32
      %dma_wait3A_447 = tpu.memref_slice %arg6[%dma_wait3A_433, %dma_wait3A_445, %dma_wait3A_446] : memref<8x128x64xf32, #tpu.memory_space<vmem>> -> memref<1x128x64xf32, #tpu.memory_space<vmem>>
      %dma_wait3A_448 = tpu.memref_squeeze %dma_wait3A_447 : memref<1x128x64xf32, #tpu.memory_space<vmem>> -> memref<128x64xf32, #tpu.memory_space<vmem>>
      tpu.wait_dma2 semaphore(%dma_wait3A_442 : memref<!tpu.dma_semaphore, #tpu.memory_space<semaphore_mem>>) src(%dma_wait3A_448 : memref<128x64xf32, #tpu.memory_space<vmem>>) dst(%dma_wait3A_444 : memref<128x64xf32, #tpu.memory_space<hbm>>)
      %dma_wait3A_449 = arith.constant 2 : i32
      %dma_wait3A_450 = arith.constant 2 : i32
      %dma_wait3A_451 = arith.constant 0 : i32
      %dma_wait3A_452 = arith.constant 0 : i32
      %dma_wait3A_453 = tpu.memref_slice %arg6[%dma_wait3A_449, %dma_wait3A_451, %dma_wait3A_452] : memref<8x128x64xf32, #tpu.memory_space<vmem>> -> memref<1x128x64xf32, #tpu.memory_space<vmem>>
      %dma_wait3A_454 = tpu.memref_squeeze %dma_wait3A_453 : memref<1x128x64xf32, #tpu.memory_space<vmem>> -> memref<128x64xf32, #tpu.memory_space<vmem>>
      %dma_wait3A_455 = arith.constant 0 : i32
      %dma_wait3A_456 = tpu.memref_slice %arg4[%mul3A_295, %dma_wait3A_455] : memref<819200x64xf32, #tpu.memory_space<hbm>> -> memref<128x64xf32, #tpu.memory_space<hbm>>
      %dma_wait3A_457 = tpu.memref_slice %arg8[%dma_wait3A_450] : memref<8x!tpu.dma_semaphore, #tpu.memory_space<semaphore_mem>> -> memref<1x!tpu.dma_semaphore, #tpu.memory_space<semaphore_mem>>
      %dma_wait3A_458 = tpu.memref_squeeze %dma_wait3A_457 : memref<1x!tpu.dma_semaphore, #tpu.memory_space<semaphore_mem>> -> memref<!tpu.dma_semaphore, #tpu.memory_space<semaphore_mem>>
      %dma_wait3A_459 = arith.constant 0 : i32
      %dma_wait3A_460 = tpu.memref_slice %arg4[%mul3A_295, %dma_wait3A_459] : memref<819200x64xf32, #tpu.memory_space<hbm>> -> memref<128x64xf32, #tpu.memory_space<hbm>>
      %dma_wait3A_461 = arith.constant 0 : i32
      %dma_wait3A_462 = arith.constant 0 : i32
      %dma_wait3A_463 = tpu.memref_slice %arg6[%dma_wait3A_449, %dma_wait3A_461, %dma_wait3A_462] : memref<8x128x64xf32, #tpu.memory_space<vmem>> -> memref<1x128x64xf32, #tpu.memory_space<vmem>>
      %dma_wait3A_464 = tpu.memref_squeeze %dma_wait3A_463 : memref<1x128x64xf32, #tpu.memory_space<vmem>> -> memref<128x64xf32, #tpu.memory_space<vmem>>
      tpu.wait_dma2 semaphore(%dma_wait3A_458 : memref<!tpu.dma_semaphore, #tpu.memory_space<semaphore_mem>>) src(%dma_wait3A_464 : memref<128x64xf32, #tpu.memory_space<vmem>>) dst(%dma_wait3A_460 : memref<128x64xf32, #tpu.memory_space<hbm>>)
      %dma_wait3A_465 = arith.constant 3 : i32
      %dma_wait3A_466 = arith.constant 3 : i32
      %dma_wait3A_467 = arith.constant 0 : i32
      %dma_wait3A_468 = arith.constant 0 : i32
      %dma_wait3A_469 = tpu.memref_slice %arg6[%dma_wait3A_465, %dma_wait3A_467, %dma_wait3A_468] : memref<8x128x64xf32, #tpu.memory_space<vmem>> -> memref<1x128x64xf32, #tpu.memory_space<vmem>>
      %dma_wait3A_470 = tpu.memref_squeeze %dma_wait3A_469 : memref<1x128x64xf32, #tpu.memory_space<vmem>> -> memref<128x64xf32, #tpu.memory_space<vmem>>
      %dma_wait3A_471 = arith.constant 0 : i32
      %dma_wait3A_472 = tpu.memref_slice %arg4[%mul3A_316, %dma_wait3A_471] : memref<819200x64xf32, #tpu.memory_space<hbm>> -> memref<128x64xf32, #tpu.memory_space<hbm>>
      %dma_wait3A_473 = tpu.memref_slice %arg8[%dma_wait3A_466] : memref<8x!tpu.dma_semaphore, #tpu.memory_space<semaphore_mem>> -> memref<1x!tpu.dma_semaphore, #tpu.memory_space<semaphore_mem>>
      %dma_wait3A_474 = tpu.memref_squeeze %dma_wait3A_473 : memref<1x!tpu.dma_semaphore, #tpu.memory_space<semaphore_mem>> -> memref<!tpu.dma_semaphore, #tpu.memory_space<semaphore_mem>>
      %dma_wait3A_475 = arith.constant 0 : i32
      %dma_wait3A_476 = tpu.memref_slice %arg4[%mul3A_316, %dma_wait3A_475] : memref<819200x64xf32, #tpu.memory_space<hbm>> -> memref<128x64xf32, #tpu.memory_space<hbm>>
      %dma_wait3A_477 = arith.constant 0 : i32
      %dma_wait3A_478 = arith.constant 0 : i32
      %dma_wait3A_479 = tpu.memref_slice %arg6[%dma_wait3A_465, %dma_wait3A_477, %dma_wait3A_478] : memref<8x128x64xf32, #tpu.memory_space<vmem>> -> memref<1x128x64xf32, #tpu.memory_space<vmem>>
      %dma_wait3A_480 = tpu.memref_squeeze %dma_wait3A_479 : memref<1x128x64xf32, #tpu.memory_space<vmem>> -> memref<128x64xf32, #tpu.memory_space<vmem>>
      tpu.wait_dma2 semaphore(%dma_wait3A_474 : memref<!tpu.dma_semaphore, #tpu.memory_space<semaphore_mem>>) src(%dma_wait3A_480 : memref<128x64xf32, #tpu.memory_space<vmem>>) dst(%dma_wait3A_476 : memref<128x64xf32, #tpu.memory_space<hbm>>)
      %dma_wait3A_481 = arith.constant 4 : i32
      %dma_wait3A_482 = arith.constant 4 : i32
      %dma_wait3A_483 = arith.constant 0 : i32
      %dma_wait3A_484 = arith.constant 0 : i32
      %dma_wait3A_485 = tpu.memref_slice %arg6[%dma_wait3A_481, %dma_wait3A_483, %dma_wait3A_484] : memref<8x128x64xf32, #tpu.memory_space<vmem>> -> memref<1x128x64xf32, #tpu.memory_space<vmem>>
      %dma_wait3A_486 = tpu.memref_squeeze %dma_wait3A_485 : memref<1x128x64xf32, #tpu.memory_space<vmem>> -> memref<128x64xf32, #tpu.memory_space<vmem>>
      %dma_wait3A_487 = arith.constant 0 : i32
      %dma_wait3A_488 = tpu.memref_slice %arg4[%mul3A_337, %dma_wait3A_487] : memref<819200x64xf32, #tpu.memory_space<hbm>> -> memref<128x64xf32, #tpu.memory_space<hbm>>
      %dma_wait3A_489 = tpu.memref_slice %arg8[%dma_wait3A_482] : memref<8x!tpu.dma_semaphore, #tpu.memory_space<semaphore_mem>> -> memref<1x!tpu.dma_semaphore, #tpu.memory_space<semaphore_mem>>
      %dma_wait3A_490 = tpu.memref_squeeze %dma_wait3A_489 : memref<1x!tpu.dma_semaphore, #tpu.memory_space<semaphore_mem>> -> memref<!tpu.dma_semaphore, #tpu.memory_space<semaphore_mem>>
      %dma_wait3A_491 = arith.constant 0 : i32
      %dma_wait3A_492 = tpu.memref_slice %arg4[%mul3A_337, %dma_wait3A_491] : memref<819200x64xf32, #tpu.memory_space<hbm>> -> memref<128x64xf32, #tpu.memory_space<hbm>>
      %dma_wait3A_493 = arith.constant 0 : i32
      %dma_wait3A_494 = arith.constant 0 : i32
      %dma_wait3A_495 = tpu.memref_slice %arg6[%dma_wait3A_481, %dma_wait3A_493, %dma_wait3A_494] : memref<8x128x64xf32, #tpu.memory_space<vmem>> -> memref<1x128x64xf32, #tpu.memory_space<vmem>>
      %dma_wait3A_496 = tpu.memref_squeeze %dma_wait3A_495 : memref<1x128x64xf32, #tpu.memory_space<vmem>> -> memref<128x64xf32, #tpu.memory_space<vmem>>
      tpu.wait_dma2 semaphore(%dma_wait3A_490 : memref<!tpu.dma_semaphore, #tpu.memory_space<semaphore_mem>>) src(%dma_wait3A_496 : memref<128x64xf32, #tpu.memory_space<vmem>>) dst(%dma_wait3A_492 : memref<128x64xf32, #tpu.memory_space<hbm>>)
      %dma_wait3A_497 = arith.constant 5 : i32
      %dma_wait3A_498 = arith.constant 5 : i32
      %dma_wait3A_499 = arith.constant 0 : i32
      %dma_wait3A_500 = arith.constant 0 : i32
      %dma_wait3A_501 = tpu.memref_slice %arg6[%dma_wait3A_497, %dma_wait3A_499, %dma_wait3A_500] : memref<8x128x64xf32, #tpu.memory_space<vmem>> -> memref<1x128x64xf32, #tpu.memory_space<vmem>>
      %dma_wait3A_502 = tpu.memref_squeeze %dma_wait3A_501 : memref<1x128x64xf32, #tpu.memory_space<vmem>> -> memref<128x64xf32, #tpu.memory_space<vmem>>
      %dma_wait3A_503 = arith.constant 0 : i32
      %dma_wait3A_504 = tpu.memref_slice %arg4[%mul3A_358, %dma_wait3A_503] : memref<819200x64xf32, #tpu.memory_space<hbm>> -> memref<128x64xf32, #tpu.memory_space<hbm>>
      %dma_wait3A_505 = tpu.memref_slice %arg8[%dma_wait3A_498] : memref<8x!tpu.dma_semaphore, #tpu.memory_space<semaphore_mem>> -> memref<1x!tpu.dma_semaphore, #tpu.memory_space<semaphore_mem>>
      %dma_wait3A_506 = tpu.memref_squeeze %dma_wait3A_505 : memref<1x!tpu.dma_semaphore, #tpu.memory_space<semaphore_mem>> -> memref<!tpu.dma_semaphore, #tpu.memory_space<semaphore_mem>>
      %dma_wait3A_507 = arith.constant 0 : i32
      %dma_wait3A_508 = tpu.memref_slice %arg4[%mul3A_358, %dma_wait3A_507] : memref<819200x64xf32, #tpu.memory_space<hbm>> -> memref<128x64xf32, #tpu.memory_space<hbm>>
      %dma_wait3A_509 = arith.constant 0 : i32
      %dma_wait3A_510 = arith.constant 0 : i32
      %dma_wait3A_511 = tpu.memref_slice %arg6[%dma_wait3A_497, %dma_wait3A_509, %dma_wait3A_510] : memref<8x128x64xf32, #tpu.memory_space<vmem>> -> memref<1x128x64xf32, #tpu.memory_space<vmem>>
      %dma_wait3A_512 = tpu.memref_squeeze %dma_wait3A_511 : memref<1x128x64xf32, #tpu.memory_space<vmem>> -> memref<128x64xf32, #tpu.memory_space<vmem>>
      tpu.wait_dma2 semaphore(%dma_wait3A_506 : memref<!tpu.dma_semaphore, #tpu.memory_space<semaphore_mem>>) src(%dma_wait3A_512 : memref<128x64xf32, #tpu.memory_space<vmem>>) dst(%dma_wait3A_508 : memref<128x64xf32, #tpu.memory_space<hbm>>)
      %dma_wait3A_513 = arith.constant 6 : i32
      %dma_wait3A_514 = arith.constant 6 : i32
      %dma_wait3A_515 = arith.constant 0 : i32
      %dma_wait3A_516 = arith.constant 0 : i32
      %dma_wait3A_517 = tpu.memref_slice %arg6[%dma_wait3A_513, %dma_wait3A_515, %dma_wait3A_516] : memref<8x128x64xf32, #tpu.memory_space<vmem>> -> memref<1x128x64xf32, #tpu.memory_space<vmem>>
      %dma_wait3A_518 = tpu.memref_squeeze %dma_wait3A_517 : memref<1x128x64xf32, #tpu.memory_space<vmem>> -> memref<128x64xf32, #tpu.memory_space<vmem>>
      %dma_wait3A_519 = arith.constant 0 : i32
      %dma_wait3A_520 = tpu.memref_slice %arg4[%mul3A_379, %dma_wait3A_519] : memref<819200x64xf32, #tpu.memory_space<hbm>> -> memref<128x64xf32, #tpu.memory_space<hbm>>
      %dma_wait3A_521 = tpu.memref_slice %arg8[%dma_wait3A_514] : memref<8x!tpu.dma_semaphore, #tpu.memory_space<semaphore_mem>> -> memref<1x!tpu.dma_semaphore, #tpu.memory_space<semaphore_mem>>
      %dma_wait3A_522 = tpu.memref_squeeze %dma_wait3A_521 : memref<1x!tpu.dma_semaphore, #tpu.memory_space<semaphore_mem>> -> memref<!tpu.dma_semaphore, #tpu.memory_space<semaphore_mem>>
      %dma_wait3A_523 = arith.constant 0 : i32
      %dma_wait3A_524 = tpu.memref_slice %arg4[%mul3A_379, %dma_wait3A_523] : memref<819200x64xf32, #tpu.memory_space<hbm>> -> memref<128x64xf32, #tpu.memory_space<hbm>>
      %dma_wait3A_525 = arith.constant 0 : i32
      %dma_wait3A_526 = arith.constant 0 : i32
      %dma_wait3A_527 = tpu.memref_slice %arg6[%dma_wait3A_513, %dma_wait3A_525, %dma_wait3A_526] : memref<8x128x64xf32, #tpu.memory_space<vmem>> -> memref<1x128x64xf32, #tpu.memory_space<vmem>>
      %dma_wait3A_528 = tpu.memref_squeeze %dma_wait3A_527 : memref<1x128x64xf32, #tpu.memory_space<vmem>> -> memref<128x64xf32, #tpu.memory_space<vmem>>
      tpu.wait_dma2 semaphore(%dma_wait3A_522 : memref<!tpu.dma_semaphore, #tpu.memory_space<semaphore_mem>>) src(%dma_wait3A_528 : memref<128x64xf32, #tpu.memory_space<vmem>>) dst(%dma_wait3A_524 : memref<128x64xf32, #tpu.memory_space<hbm>>)
      %dma_wait3A_529 = arith.constant 7 : i32
      %dma_wait3A_530 = arith.constant 7 : i32
      %dma_wait3A_531 = arith.constant 0 : i32
      %dma_wait3A_532 = arith.constant 0 : i32
      %dma_wait3A_533 = tpu.memref_slice %arg6[%dma_wait3A_529, %dma_wait3A_531, %dma_wait3A_532] : memref<8x128x64xf32, #tpu.memory_space<vmem>> -> memref<1x128x64xf32, #tpu.memory_space<vmem>>
      %dma_wait3A_534 = tpu.memref_squeeze %dma_wait3A_533 : memref<1x128x64xf32, #tpu.memory_space<vmem>> -> memref<128x64xf32, #tpu.memory_space<vmem>>
      %dma_wait3A_535 = arith.constant 0 : i32
      %dma_wait3A_536 = tpu.memref_slice %arg4[%mul3A_400, %dma_wait3A_535] : memref<819200x64xf32, #tpu.memory_space<hbm>> -> memref<128x64xf32, #tpu.memory_space<hbm>>
      %dma_wait3A_537 = tpu.memref_slice %arg8[%dma_wait3A_530] : memref<8x!tpu.dma_semaphore, #tpu.memory_space<semaphore_mem>> -> memref<1x!tpu.dma_semaphore, #tpu.memory_space<semaphore_mem>>
      %dma_wait3A_538 = tpu.memref_squeeze %dma_wait3A_537 : memref<1x!tpu.dma_semaphore, #tpu.memory_space<semaphore_mem>> -> memref<!tpu.dma_semaphore, #tpu.memory_space<semaphore_mem>>
      %dma_wait3A_539 = arith.constant 0 : i32
      %dma_wait3A_540 = tpu.memref_slice %arg4[%mul3A_400, %dma_wait3A_539] : memref<819200x64xf32, #tpu.memory_space<hbm>> -> memref<128x64xf32, #tpu.memory_space<hbm>>
      %dma_wait3A_541 = arith.constant 0 : i32
      %dma_wait3A_542 = arith.constant 0 : i32
      %dma_wait3A_543 = tpu.memref_slice %arg6[%dma_wait3A_529, %dma_wait3A_541, %dma_wait3A_542] : memref<8x128x64xf32, #tpu.memory_space<vmem>> -> memref<1x128x64xf32, #tpu.memory_space<vmem>>
      %dma_wait3A_544 = tpu.memref_squeeze %dma_wait3A_543 : memref<1x128x64xf32, #tpu.memory_space<vmem>> -> memref<128x64xf32, #tpu.memory_space<vmem>>
      tpu.wait_dma2 semaphore(%dma_wait3A_538 : memref<!tpu.dma_semaphore, #tpu.memory_space<semaphore_mem>>) src(%dma_wait3A_544 : memref<128x64xf32, #tpu.memory_space<vmem>>) dst(%dma_wait3A_540 : memref<128x64xf32, #tpu.memory_space<hbm>>)
    }
    %scan3A_7 = arith.constant 25 : i32
    return
  }
}

module attributes {stable_mosaic.version = 14 : i64} {
  func.func @_tc_ln_body(%arg0: i32, %arg1: memref<3200x128xf32, #tpu.memory_space<vmem>>, %arg2: memref<1x50x128xi32, #tpu.memory_space<vmem>>, %arg3: memref<3200x128xf32, #tpu.memory_space<vmem>>, %arg4: memref<3200x50xf32, #tpu.memory_space<vmem>>, %arg5: memref<3200x128xf32, #tpu.memory_space<vmem>>, %arg6: memref<3200x128xf32, #tpu.memory_space<vmem>>, %arg7: memref<5x128xf32, #tpu.memory_space<vmem>>, %arg8: memref<3200x128xf32, #tpu.memory_space<vmem>>) attributes {dimension_semantics = [#tpu.dimension_semantics<arbitrary>], iteration_bounds = array<i64: 128>, scalar_prefetch = 0 : i64, scratch_operands = 0 : i64, tpu.core_type = #tpu.core_type<tc>, window_params = [{transform_indices = @transform_0, window_bounds = array<i64: 3200, 128>}, {transform_indices = @transform_1, window_bounds = array<i64: 1, 50, 128>}, {pipeline_mode = #tpu.pipeline_mode<synchronous>, transform_indices = @transform_2, window_bounds = array<i64: 3200, 128>}, {pipeline_mode = #tpu.pipeline_mode<synchronous>, transform_indices = @transform_3, window_bounds = array<i64: 3200, 50>}, {pipeline_mode = #tpu.pipeline_mode<synchronous>, transform_indices = @transform_4, window_bounds = array<i64: 3200, 128>}, {pipeline_mode = #tpu.pipeline_mode<synchronous>, transform_indices = @transform_5, window_bounds = array<i64: 3200, 128>}, {pipeline_mode = #tpu.pipeline_mode<synchronous>, transform_indices = @transform_6, window_bounds = array<i64: 5, 128>}, {transform_indices = @transform_7, window_bounds = array<i64: 3200, 128>}]} {
    %get3A = arith.constant 0 : index
    %get3A_0 = arith.constant 0 : index
    %get3A_1 = vector.load %arg1[%get3A, %get3A_0] : memref<3200x128xf32, #tpu.memory_space<vmem>>, vector<3200x128xf32>
    %get3A_2 = arith.constant 0 : index
    %get3A_3 = arith.constant 0 : index
    %get3A_4 = vector.load %arg3[%get3A_2, %get3A_3] : memref<3200x128xf32, #tpu.memory_space<vmem>>, vector<3200x128xf32>
    %get3A_5 = arith.constant 0 : index
    %get3A_6 = arith.constant 0 : index
    %get3A_7 = vector.load %arg4[%get3A_5, %get3A_6] : memref<3200x50xf32, #tpu.memory_space<vmem>>, vector<3200x50xf32>
    %get3A_8 = arith.constant 0 : index
    %get3A_9 = arith.constant 0 : index
    %get3A_10 = vector.load %arg5[%get3A_8, %get3A_9] : memref<3200x128xf32, #tpu.memory_space<vmem>>, vector<3200x128xf32>
    %get3A_11 = arith.constant 0 : index
    %get3A_12 = arith.constant 0 : index
    %get3A_13 = vector.load %arg6[%get3A_11, %get3A_12] : memref<3200x128xf32, #tpu.memory_space<vmem>>, vector<3200x128xf32>
    %get3A_14 = arith.constant 0 : index
    %get3A_15 = arith.constant 0 : index
    %get3A_16 = vector.load %arg7[%get3A_14, %get3A_15] : memref<5x128xf32, #tpu.memory_space<vmem>>, vector<1x128xf32>
    %get3A_17 = vector.shape_cast %get3A_16 : vector<1x128xf32> to vector<128xf32>
    %broadcast_in_dim3A = vector.shape_cast %get3A_17 : vector<128xf32> to vector<1x128xf32>
    %get3A_18 = arith.constant 1 : index
    %get3A_19 = arith.constant 0 : index
    %get3A_20 = vector.load %arg7[%get3A_18, %get3A_19] : memref<5x128xf32, #tpu.memory_space<vmem>>, vector<1x128xf32>
    %get3A_21 = vector.shape_cast %get3A_20 : vector<1x128xf32> to vector<128xf32>
    %broadcast_in_dim3A_22 = vector.shape_cast %get3A_21 : vector<128xf32> to vector<1x128xf32>
    %get3A_23 = arith.constant 2 : index
    %get3A_24 = arith.constant 0 : index
    %get3A_25 = vector.load %arg7[%get3A_23, %get3A_24] : memref<5x128xf32, #tpu.memory_space<vmem>>, vector<1x128xf32>
    %get3A_26 = vector.shape_cast %get3A_25 : vector<1x128xf32> to vector<128xf32>
    %broadcast_in_dim3A_27 = vector.shape_cast %get3A_26 : vector<128xf32> to vector<1x128xf32>
    %get3A_28 = arith.constant 3 : index
    %get3A_29 = arith.constant 0 : index
    %get3A_30 = vector.load %arg7[%get3A_28, %get3A_29] : memref<5x128xf32, #tpu.memory_space<vmem>>, vector<1x128xf32>
    %get3A_31 = vector.shape_cast %get3A_30 : vector<1x128xf32> to vector<128xf32>
    %broadcast_in_dim3A_32 = vector.shape_cast %get3A_31 : vector<128xf32> to vector<1x128xf32>
    %get3A_33 = arith.constant 4 : index
    %get3A_34 = arith.constant 0 : index
    %get3A_35 = vector.load %arg7[%get3A_33, %get3A_34] : memref<5x128xf32, #tpu.memory_space<vmem>>, vector<1x128xf32>
    %get3A_36 = vector.shape_cast %get3A_35 : vector<1x128xf32> to vector<128xf32>
    %broadcast_in_dim3A_37 = vector.shape_cast %get3A_36 : vector<128xf32> to vector<1x128xf32>
    %get3A_38 = arith.constant 0 : index
    %get3A_39 = arith.constant 0 : index
    %get3A_40 = arith.constant 0 : index
    %get3A_41 = vector.load %arg2[%get3A_38, %get3A_39, %get3A_40] : memref<1x50x128xi32, #tpu.memory_space<vmem>>, vector<1x50x128xi32>
    %get3A_42 = vector.shape_cast %get3A_41 : vector<1x50x128xi32> to vector<50x128xi32>
    %convert_element_type3A = arith.sitofp %get3A_42 : vector<50x128xi32> to vector<50x128xf32>
    %dot_general3A = arith.constant dense<0.000000e+00> : vector<3200x128xf32>
    %dot_general3A_43 = tpu.matmul %get3A_7, %convert_element_type3A, %dot_general3A {dimension_numbers = #tpu.dot_dimension_numbers<[1], [0], [0], [1], [0, 0, 1, 1], [], []>, transpose_lhs_hint = false} : vector<3200x50xf32>, vector<50x128xf32>, vector<3200x128xf32> -> vector<3200x128xf32>
    %mul3A = arith.mulf %dot_general3A_43, %get3A_10 : vector<3200x128xf32>
    %reduce_sum3A = arith.constant dense<0.000000e+00> : vector<3200xf32>
    %reduce_sum3A_44 = vector.multi_reduction <add>, %mul3A, %reduce_sum3A [1] : vector<3200x128xf32> to vector<3200xf32>
    %broadcast_in_dim3A_45 = vector.shape_cast %reduce_sum3A_44 : vector<3200xf32> to vector<3200x1xf32>
    %mul3A_46 = arith.mulf %dot_general3A_43, %get3A_13 : vector<3200x128xf32>
    %reduce_sum3A_47 = arith.constant dense<0.000000e+00> : vector<3200xf32>
    %reduce_sum3A_48 = vector.multi_reduction <add>, %mul3A_46, %reduce_sum3A_47 [1] : vector<3200x128xf32> to vector<3200xf32>
    %broadcast_in_dim3A_49 = vector.shape_cast %reduce_sum3A_48 : vector<3200xf32> to vector<3200x1xf32>
    %mul3A_50 = vector.broadcast %broadcast_in_dim3A_45 : vector<3200x1xf32> to vector<3200x128xf32>
    %mul3A_51 = vector.broadcast %broadcast_in_dim3A_27 : vector<1x128xf32> to vector<3200x128xf32>
    %mul3A_52 = arith.mulf %mul3A_50, %mul3A_51 : vector<3200x128xf32>
    %sub3A = arith.constant 1.000000e+00 : f32
    %sub3A_53 = vector.broadcast %sub3A : f32 to vector<1x128xf32>
    %sub3A_54 = arith.subf %sub3A_53, %broadcast_in_dim3A_27 : vector<1x128xf32>
    %mul3A_55 = vector.broadcast %broadcast_in_dim3A_49 : vector<3200x1xf32> to vector<3200x128xf32>
    %mul3A_56 = vector.broadcast %sub3A_54 : vector<1x128xf32> to vector<3200x128xf32>
    %mul3A_57 = arith.mulf %mul3A_55, %mul3A_56 : vector<3200x128xf32>
    %add3A = arith.addf %mul3A_52, %mul3A_57 : vector<3200x128xf32>
    %add3A_58 = arith.addf %get3A_1, %get3A_4 : vector<3200x128xf32>
    %add3A_59 = vector.broadcast %broadcast_in_dim3A : vector<1x128xf32> to vector<3200x128xf32>
    %add3A_60 = arith.addf %add3A_58, %add3A_59 : vector<3200x128xf32>
    %mul3A_61 = vector.broadcast %broadcast_in_dim3A_22 : vector<1x128xf32> to vector<3200x128xf32>
    %mul3A_62 = arith.mulf %add3A, %mul3A_61 : vector<3200x128xf32>
    %add3A_63 = arith.addf %add3A_60, %mul3A_62 : vector<3200x128xf32>
    %sub3A_64 = arith.constant 1.000000e+00 : f32
    %sub3A_65 = vector.broadcast %sub3A_64 : f32 to vector<1x128xf32>
    %sub3A_66 = arith.subf %sub3A_65, %broadcast_in_dim3A_27 : vector<1x128xf32>
    %concatenate3A = tpu.concatenate %broadcast_in_dim3A_27, %sub3A_66 in 0 : vector<1x128xf32>, vector<1x128xf32> -> vector<2x128xf32>
    %mul3A_67 = arith.constant 1.562500e-02 : f32
    %mul3A_68 = vector.broadcast %mul3A_67 : f32 to vector<2x128xf32>
    %mul3A_69 = arith.mulf %concatenate3A, %mul3A_68 : vector<2x128xf32>
    %sub3A_70 = arith.constant 1.000000e+00 : f32
    %sub3A_71 = vector.broadcast %sub3A_70 : f32 to vector<1x128xf32>
    %sub3A_72 = arith.subf %sub3A_71, %broadcast_in_dim3A_27 : vector<1x128xf32>
    %concatenate3A_73 = tpu.concatenate %broadcast_in_dim3A_27, %sub3A_72 in 0 : vector<1x128xf32>, vector<1x128xf32> -> vector<2x128xf32>
    %transpose3A = tpu.transpose %mul3A_69, [1, 0] : vector<2x128xf32> -> vector<128x2xf32>
    %dot_general3A_74 = arith.constant dense<0.000000e+00> : vector<3200x2xf32>
    %dot_general3A_75 = tpu.matmul %add3A_63, %transpose3A, %dot_general3A_74 {dimension_numbers = #tpu.dot_dimension_numbers<[1], [0], [0], [1], [0, 0, 1, 1], [], []>, transpose_lhs_hint = false} : vector<3200x128xf32>, vector<128x2xf32>, vector<3200x2xf32> -> vector<3200x2xf32>
    %dot_general3A_76 = arith.constant dense<0.000000e+00> : vector<3200x128xf32>
    %dot_general3A_77 = tpu.matmul %dot_general3A_75, %concatenate3A_73, %dot_general3A_76 {dimension_numbers = #tpu.dot_dimension_numbers<[1], [0], [0], [1], [0, 0, 1, 1], [], []>, transpose_lhs_hint = false} : vector<3200x2xf32>, vector<2x128xf32>, vector<3200x128xf32> -> vector<3200x128xf32>
    %sub3A_78 = arith.subf %add3A_63, %dot_general3A_77 : vector<3200x128xf32>
    %mul3A_79 = arith.mulf %sub3A_78, %sub3A_78 : vector<3200x128xf32>
    %transpose3A_80 = tpu.transpose %mul3A_69, [1, 0] : vector<2x128xf32> -> vector<128x2xf32>
    %dot_general3A_81 = arith.constant dense<0.000000e+00> : vector<3200x2xf32>
    %dot_general3A_82 = tpu.matmul %mul3A_79, %transpose3A_80, %dot_general3A_81 {dimension_numbers = #tpu.dot_dimension_numbers<[1], [0], [0], [1], [0, 0, 1, 1], [], []>, transpose_lhs_hint = false} : vector<3200x128xf32>, vector<128x2xf32>, vector<3200x2xf32> -> vector<3200x2xf32>
    %add3A_83 = arith.constant 9.99999996E-13 : f32
    %add3A_84 = vector.broadcast %add3A_83 : f32 to vector<3200x2xf32>
    %add3A_85 = arith.addf %dot_general3A_82, %add3A_84 : vector<3200x2xf32>
    %rsqrt3A = math.rsqrt %add3A_85 : vector<3200x2xf32>
    %dot_general3A_86 = arith.constant dense<0.000000e+00> : vector<3200x128xf32>
    %dot_general3A_87 = tpu.matmul %rsqrt3A, %concatenate3A_73, %dot_general3A_86 {dimension_numbers = #tpu.dot_dimension_numbers<[1], [0], [0], [1], [0, 0, 1, 1], [], []>, transpose_lhs_hint = false} : vector<3200x2xf32>, vector<2x128xf32>, vector<3200x128xf32> -> vector<3200x128xf32>
    %mul3A_88 = arith.mulf %sub3A_78, %dot_general3A_87 : vector<3200x128xf32>
    %mul3A_89 = vector.broadcast %broadcast_in_dim3A_32 : vector<1x128xf32> to vector<3200x128xf32>
    %mul3A_90 = arith.mulf %mul3A_88, %mul3A_89 : vector<3200x128xf32>
    %add3A_91 = vector.broadcast %broadcast_in_dim3A_37 : vector<1x128xf32> to vector<3200x128xf32>
    %add3A_92 = arith.addf %mul3A_90, %add3A_91 : vector<3200x128xf32>
    %swap3A = arith.constant 0 : index
    %swap3A_93 = arith.constant 0 : index
    %swap3A_94 = vector.load %arg8[%swap3A, %swap3A_93] : memref<3200x128xf32, #tpu.memory_space<vmem>>, vector<3200x128xf32>
    tpu.vector_store %arg8[%swap3A, %swap3A_93], %add3A_92 {strides = array<i32>} : memref<3200x128xf32, #tpu.memory_space<vmem>>, vector<3200x128xf32>,
    return
  }
  func.func @transform_0(%arg0: i32) -> (i32, i32) {
    %c0_i32 = arith.constant 0 : i32
    %c0_i32_0 = arith.constant 0 : i32
    return %arg0, %c0_i32 : i32, i32
  }
  func.func @transform_1(%arg0: i32) -> (i32, i32, i32) {
    %c0_i32 = arith.constant 0 : i32
    %c0_i32_0 = arith.constant 0 : i32
    %c0_i32_1 = arith.constant 0 : i32
    return %arg0, %c0_i32, %c0_i32_0 : i32, i32, i32
  }
  func.func @transform_2(%arg0: i32) -> (i32, i32) {
    %c0_i32 = arith.constant 0 : i32
    %c0_i32_0 = arith.constant 0 : i32
    %c0_i32_1 = arith.constant 0 : i32
    return %c0_i32, %c0_i32_0 : i32, i32
  }
  func.func @transform_3(%arg0: i32) -> (i32, i32) {
    %c0_i32 = arith.constant 0 : i32
    %c0_i32_0 = arith.constant 0 : i32
    %c0_i32_1 = arith.constant 0 : i32
    return %c0_i32, %c0_i32_0 : i32, i32
  }
  func.func @transform_4(%arg0: i32) -> (i32, i32) {
    %c0_i32 = arith.constant 0 : i32
    %c0_i32_0 = arith.constant 0 : i32
    %c0_i32_1 = arith.constant 0 : i32
    return %c0_i32, %c0_i32_0 : i32, i32
  }
  func.func @transform_5(%arg0: i32) -> (i32, i32) {
    %c0_i32 = arith.constant 0 : i32
    %c0_i32_0 = arith.constant 0 : i32
    %c0_i32_1 = arith.constant 0 : i32
    return %c0_i32, %c0_i32_0 : i32, i32
  }
  func.func @transform_6(%arg0: i32) -> (i32, i32) {
    %c0_i32 = arith.constant 0 : i32
    %c0_i32_0 = arith.constant 0 : i32
    %c0_i32_1 = arith.constant 0 : i32
    return %c0_i32, %c0_i32_0 : i32, i32
  }
  func.func @transform_7(%arg0: i32) -> (i32, i32) {
    %c0_i32 = arith.constant 0 : i32
    %c0_i32_0 = arith.constant 0 : i32
    return %arg0, %c0_i32 : i32, i32
  }
}

</mosaic_0001>

<sc_bundles>
// kernel: kernel.4.cloned.1.call-start
scs
__scs_entry_jumppad:
0x0: {  	(pc) =	sbr.rel $0x88, $3  }
0x1: {  	(tag) =	ssettag $0x0;
	lr =	simm.s32 $0x1  }
0x2: {  	[smem:$0x3F9A] =	sst lr;
	_ =	strace $0xD0000000  }
0x3: {  	_ = 	snop  }
0x4: {  	_ = 	snop  }
0x5: {  	_ = 	snop  }
0x6: {  	_ = 	snop  }
0x7: {  	_ = 	snop  }
__scs_overlays_trampoline_lowered:
0x8: {  	[smem:$0x3FA9] =	sst s0  }
0x9: {  	[smem:$0x3FAA] =	sst s1  }
0xa: {  	[smem:$0x3FAB] =	sst s2  }
0xb: {  	[smem:$0x3FAC] =	sst s3  }
0xc: {  	[smem:$0x3FAD] =	sst s4  }
0xd: {  	[smem:$0x3FAE] =	sst s5  }
0xe: {  	[smem:$0x3FAF] =	sst s6  }
0xf: {  	[smem:$0x3FB0] =	sst s7  }
0x10: {  	[smem:$0x3FB1] =	sst s8  }
0x11: {  	[smem:$0x3FB2] =	sst s9;
	s0 =	simm.s32 @!p0 $0x0  }
0x12: {  	s1 =	sld [smem:$0x3F98];
	s0 =	simm.s32 @p0 $0x1  }
0x13: {  	[smem:$0x3FB3] =	sst s0;
	s0 =	simm.s32 @!p1 $0x0  }
0x14: {  	s2 =	sld [smem:$0x3F97];
	s0 =	simm.s32 @p1 $0x1  }
0x15: {  	[smem:$0x3FB4] =	sst s0;
	s0 =	simm.s32 @!p2 $0x0  }
0x16: {  	s3 =	sld [smem:$0x3FDB];
	s0 =	simm.s32 @p2 $0x1  }
0x17: {  	s4 =	simm.s32 $0x1BF5;
	[smem:$0x3FB6] =	sst s0  }
0x18: {  	s0 =	sld [smem:$0x3F99];
	_ =	swait.ge [sflag:s4], $0x0  }
0x19: {  	s7 =	sld [smem:$0x3F9A]  }
0x1a: {  	s8 =	sadd.s32 $0xFFFFE003, lr  }
0x1b: {  	s9 =	sadd.s32 $0xFFFFFEF7, lr;
	s5 =	simm.s32 $0xFFFFFFFF;
	p2 =	slt.u32 s8, $0xFFFFF086  }
0x1c: {  	p1 =	slt.u32 s9, $0xF7A;
	s5 =	simm.s32 @!p2 $0x0  }
0x1d: {  	s5 =	simm.s32 @p1 $0x1;
	p0 =	seq.s32 s7, s2  }
0x1e: {  	s7 =	smul.u32 @!p0 $0xF7A, s2;
	p2 =	seq.s32 @!p0 s5, $0x0  }
0x1f: {  	s9 =	smul.u32 $0xF7A, s1;
	s8 =	simm.s32 @!p0 $0x1BF5;
	p2 =	por !p2, p0  }
0x20: {  	[sflag:s8] =	ssyncset.s32 @!p0 $0xFFFFF086;
	s6 =	sadd.s32 @!p0 s3, s7;
	s7 =	simm.s32 @!p0 $0x108  }
0x21: {  	s3 =	sadd.s32 s3, s9;
	s6 =	sadd.s32 @!p0 $0x88, s6;
	s7 =	simm.s32 @p2 $0x1082  }
0x22: {  	[simem:s7], [sflag:s8] =	dma.local @!p0 [hbm:s6], $0xF7A  }
0x23: {  	s9 =	sor.u32 $0xD0000000, s2;
	s6 =	simm.s32 $0x108;
	_ =	swait.ge @!p0 [sflag:s8], $0x0  }
0x24: {  	s3 =	sadd.s32 $0x88, s3;
	s6 =	simm.s32 @!p1 $0x1082;
	[sflag:s4] =	ssyncset.s32 $0xFFFFF086  }
0x25: {  	[simem:s6], [sflag:s4] =	dma.local [hbm:s3], $0xF7A  }
0x26: {  	[smem:$0x3F9A] =	sst s1;
	(tag) =	ssettag s2;
	_ =	strace s9  }
0x27: {  	s1 =	sld [smem:$0x3FAA]  }
0x28: {  	s2 =	sld [smem:$0x3FAB]  }
0x29: {  	s4 =	sld [smem:$0x3FAD]  }
0x2a: {  	p0 =	seq.s32 s5, $0x0;
	s5 =	sld [smem:$0x3FAE]  }
0x2b: {  	s6 =	sld [smem:$0x3FAF]  }
0x2c: {  	s7 =	sld [smem:$0x3FB0]  }
0x2d: {  	s3 =	simm.s32 $0x108;
	s8 =	sld [smem:$0x3FB1]  }
0x2e: {  	s3 =	simm.s32 @!p0 $0x1082;
	s9 =	sld [smem:$0x3FB2]  }
0x2f: {  	lr =	sadd.s32 s0, s3;
	s0 =	sld [smem:$0x3FA9]  }
0x30: {  	s3 =	sld [smem:$0x3FAC]  }
0x31: {  	[smem:$0x3FB5] =	sst s10  }
0x32: {  	s10 =	sld [smem:$0x3FB3];
	_ =	sdelay $0x3  }
0x33: {  	p0 =	seq.s32 s10, $0x1;
	s10 =	sld [smem:$0x3FB5];
	_ =	sdelay $0x3  }
0x34: {  	[smem:$0x3FB5] =	sst s10  }
0x35: {  	s10 =	sld [smem:$0x3FB4];
	_ =	sdelay $0x3  }
0x36: {  	p1 =	seq.s32 s10, $0x1;
	s10 =	sld [smem:$0x3FB5];
	_ =	sdelay $0x3  }
0x37: {  	[smem:$0x3FB5] =	sst s10  }
0x38: {  	s10 =	sld [smem:$0x3FB6]  }
0x39: {  	_ = 	snop;
	(pc) =	sbr.ind lr, $3  }
0x3a: {  	_ = 	snop  }
0x3b: {  	_ = 	snop  }
0x3c: {  	p2 =	seq.s32 s10, $0x1;
	s10 =	sld [smem:$0x3FB5]  }
0x3d: {  	_ =	shalt  }
0x3e: {  	_ =	shalt  }
0x3f: {  	_ =	shalt  }
0x40: {  	_ =	shalt  }
0x41: {  	_ =	shalt  }
0x42: {  	_ =	shalt  }
0x43: {  	_ =	shalt  }
0x44: {  	_ =	shalt  }
0x45: {  	_ =	shalt  }
0x46: {  	_ =	shalt  }
0x47: {  	_ =	shalt  }
0x48: {  	_ =	shalt  }
0x49: {  	_ =	shalt  }
0x4a: {  	_ =	shalt  }
0x4b: {  	_ =	shalt  }
0x4c: {  	_ =	shalt  }
0x4d: {  	_ =	shalt  }
0x4e: {  	_ =	shalt  }
0x4f: {  	_ =	shalt  }
0x50: {  	_ =	shalt  }
0x51: {  	_ =	shalt  }
0x52: {  	_ =	shalt  }
0x53: {  	_ =	shalt  }
0x54: {  	_ =	shalt  }
0x55: {  	_ =	shalt  }
0x56: {  	_ =	shalt  }
0x57: {  	_ =	shalt  }
0x58: {  	_ =	shalt  }
0x59: {  	_ =	shalt  }
0x5a: {  	_ =	shalt  }
0x5b: {  	_ =	shalt  }
0x5c: {  	_ =	shalt  }
0x5d: {  	_ =	shalt  }
0x5e: {  	_ =	shalt  }
0x5f: {  	_ =	shalt  }
0x60: {  	_ =	shalt  }
0x61: {  	_ =	shalt  }
0x62: {  	_ =	shalt  }
0x63: {  	_ =	shalt  }
0x64: {  	_ =	shalt  }
0x65: {  	_ =	shalt  }
0x66: {  	_ =	shalt  }
0x67: {  	_ =	shalt  }
0x68: {  	_ =	shalt  }
0x69: {  	_ =	shalt  }
0x6a: {  	_ =	shalt  }
0x6b: {  	_ =	shalt  }
0x6c: {  	_ =	shalt  }
0x6d: {  	_ =	shalt  }
0x6e: {  	_ =	shalt  }
0x6f: {  	_ =	shalt  }
0x70: {  	_ =	shalt  }
0x71: {  	_ =	shalt  }
0x72: {  	_ =	shalt  }
0x73: {  	_ =	shalt  }
0x74: {  	_ =	shalt  }
0x75: {  	_ =	shalt  }
0x76: {  	_ =	shalt  }
0x77: {  	_ =	shalt  }
0x78: {  	_ =	shalt  }
0x79: {  	_ =	shalt  }
0x7a: {  	_ =	shalt  }
0x7b: {  	_ =	shalt  }
0x7c: {  	_ =	shalt  }
0x7d: {  	_ =	shalt  }
0x7e: {  	_ =	shalt  }
0x7f: {  	_ =	shalt  }
0x80: {  	_ =	shalt  }
0x81: {  	_ =	shalt  }
0x82: {  	_ =	shalt  }
0x83: {  	_ =	shalt  }
0x84: {  	_ =	shalt  }
0x85: {  	_ =	shalt  }
0x86: {  	_ =	shalt  }
0x87: {  	_ =	shalt  }
.Lfunc_end0:
.L_simem_size_0:
called_computation.1_lowered:
.L_overlay_start_0:
0x88: {  	s2 =	sld [smem:$0x3FD9]  }
0x89: {  	s3 =	sld [smem:$0x3FFE];
	_ =	sdelay $0x1  }
0x8a: {  	s1 =	srdreg.scid  }
0x8b: {  	s0 =	sand.u32 $0x1, s1  }
0x8c: {  	s17 =	sshll.u32 s0, $0xA;
	s2 =	sadd.s32 s3, s2  }
0x8d: {  	s2 =	sadd.s32 s2, s17  }
0x8e: {  	[smem:$0x3FC1] =	sst s2  }
0x8f: {  	_ = 	snop  }
0x90: {  	s2 =	sld [smem:$0x3FD0];
	(tm) =	ssettm $0x1  }
0x91: {  	s18 =	sld [smem:$0x3FFB];
	_ =	sdelay $0x3  }
0x92: {  	_ =	strace s18  }
0x93: {  	s3 =	sld [smem:$0x3FFC];
	_ =	sdelay $0x3  }
0x94: {  	_ =	strace s3  }
0x95: {  	s3 =	sld [smem:$0x3FFD];
	_ =	sdelay $0x3  }
0x96: {  	_ =	strace s3  }
0x97: {  	_ =	strace $0x8FFFFFFF  }
0x98: {  	s19 =	sld [smem:$0x3FDB];
	_ =	sdelay $0x1  }
0x99: {  	s4 =	simm.s32 $_scs_section_size  }
0x9a: {  	s5 =	simm.s32 $_size__tile_overlayer_lowered;
	s6 =	simm.s32 $_tile_overlayer_lowered  }
0x9b: {  	s22 =	simm.s32 $0x1BFF;
	s21 =	sshll.u32 s6, $0x1;
	s3 =	sadd.s32 s4, s19  }
0x9c: {  	s7 =	simm.s32 $0x0;
	s20 =	sshll.u32 s5, $0x1;
	s5 =	sadd.s32 s21, s3  }
0x9d: {  	[timem:s7], [sflag:s22] =	dma.local [hbm:s5], s20  }
0x9e: {  	_ =	swait.ge [sflag:s22], s20  }
0x9f: {  	s4 =	ssub.s32 $0x0, s20;
	[sflag:s22] =	ssyncset.done $0x0  }
0xa0: {  	[sflag:s22] =	ssyncadd.s32 s4;
	_ =	sdelay $0x1  }
0xa1: {  	s23 =	simm.s32 $0x1B8B  }
0xa2: {  	_ =	swait.ge [sflag:s23], $0x1  }
0xa3: {  	[sflag:s23] =	ssyncset.done $0x0  }
0xa4: {  	s25 =	simm.s32 $0x1B8E;
	s24 =	sld [smem:$0x3FFE];
	[sflag:s23] =	ssyncadd.s32 $0xFFFFFFFF  }
0xa5: {  	s26 =	simm.s32 $execute0_lowered;
	[smem:$0x3FD2] =	sst s25  }
0xa6: {  	s5 =	sshll.u32 s26, $0x1;
	_ =	strace $0x80000046;
	[dreg:$0x1] =	wrdreg $0xFFFFFFFF  }
0xa7: {  	s28 =	simm.s32 $_size_execute0_lowered;
	s3 =	sadd.s32 s3, s5;
	[dreg:$0x0] =	wrdreg $0x0  }
0xa8: {  	s5 =	sshll.u32 s28, $0x1;
	[dreg:$0x2] =	wrdreg s3  }
0xa9: {  	[dreg:$0x3] =	wrdreg s5  }
0xaa: {  	[dreg:$0x4] =	wrdreg $0xC0  }
0xab: {  	_ =	task [dreg:s7], $0x5FFFF  }
0xac: {  	[dreg:$0x1] =	wrdreg $0xFFFFFFFF  }
0xad: {  	[dreg:$0x0] =	wrdreg $0x60  }
0xae: {  	[dreg:$0x2] =	wrdreg s2  }
0xaf: {  	[dreg:$0x3] =	wrdreg s24  }
0xb0: {  	[dreg:$0x4] =	wrdreg $0x9  }
0xb1: {  	_ =	task.clear_ibuf [dreg:s7], $0x5FFFF;
	_ =	strace $0x90000046  }
0xb2: {  	s29 =	simm.s32 $0x9;
	_ =	strace $0x80000048  }
0xb3: {  	_ =	swait.ge [sflag:s29], $0x1  }
0xb4: {  	[sflag:s29] =	ssyncadd.s32 $0xFFFFFFFF  }
0xb5: {  	_ =	strace $0x90000048  }
0xb6: {  	_ =	sfence  }
0xb7: {  	s30 =	sld [smem:$0x0];
	_ =	sdelay $0x2  }
0xb8: {  	s31 =	sshll.u32 s1, $0xD;
	s1 =	sshrl.u32 s1, $0x2  }
0xb9: {  	s3 =	sand.u32 $0x4000, s31;
	s1 =	sadd.s32 s1, s30  }
0xba: {  	s0 =	sor.u32 s3, s0;
	s1 =	sshll.u32 s1, $0x11  }
0xbb: {  	s0 =	sor.u32 s1, s0  }
0xbc: {  	s0 =	sadd.s32 $0x8F2B, s0  }
0xbd: {  	[sflag:s0] =	ssyncadd.remote.s32 $0x1  }
0xbe: {  	_ =	sfence.sel $0xFFFF  }
0xbf: {  	[dreg:$0x0] =	wrdreg $0xFFFFFFFF;
	(pc) =	sbr.abs _section_cstart, $3  }
0xc0: {  	[dreg:$0x1] =	wrdreg $0xFFFFFFFF  }
0xc1: {  	_ =	task.clear_ibuf [dreg:s7], $0x2FFFF;
	_ =	strace $0x9FFFFFFF  }
0xc2: {  	(tm) =	ssettm $0x7FFFFFFF  }
0xc3: {  	_ =	shalt  }
tec
execute0_lowered:
.L_overlay_start_1:
0x0: {  	(tag) =	ssettag $0x1  }
0x1: {  	s0 =	rddreg [dreg:$0x0]  }
0x2: {  	s1 =	rddreg [dreg:$0x1];
	s2 =	simm.s32 $0x0  }
0x3: {  	s5 =	stileid.u32;
	s3 =	srdreg.scid;
	s17 =	simm.s32 $0x1  }
0x4: {  	s18 =	simm.s32 $0x2;
	s19 =	simm.s32 $0x3;
	s20 =	simm.s32 $0x4  }
0x5: {  	s21 =	simm.s32 $0x5;
	s22 =	simm.s32 $0x6;
	s23 =	simm.s32 $0x7  }
0x6: {  	s28 =	simm.s32 $0xB;
	s29 =	simm.s32 $0xC;
	s30 =	simm.s32 $0xD  }
0x7: {  	s31 =	simm.s32 $0xE;
	s15 =	simm.s32 $0x10400;
	s16 =	simm.s32 $0x12400  }
0x8: {  	s4 =	smul.u32 $0x64000, s5;
	s3 =	sand.u32 $0x1, s3;
	s5 =	sshll.u32 s5, $0x1  }
0x9: {  	[smem:$0x7FF] =	sst s2;
	s5 =	sor.u32 s3, s5;
	s7 =	smul.u32 $0x32000, s3  }
0xa: {  	_ =	strace $0x80000047;
	s6 =	ssub.s32 $0x2, s3;
	s5 =	smul.u32 $0xC80, s5  }
0xb: {  	s3 =	sadd.s32 $0xF43A00, s1;
	s4 =	sadd.s32 s4, s1;
	s8 =	sshrl.u32 s6, $0x1  }
0xc: {  	s1 =	simm.s32 $0x10;
	s24 =	ssub.s32 s6, s8;
	s0 =	sadd.s32 s0, s5  }
0xd: {  	s4 =	sadd.s32 s7, s4;
	s25 =	smax.u32 s24, $0x1;
	[dreg:$0x3] =	wrdreg s0  }
0xe: {  	s8 =	simm.s32 $0x80;
	s26 =	sadd.s32 $0x3200, s4;
	[dreg:$0x4] =	wrdreg s25  }
0xf: {  	s24 =	simm.s32 $0x8;
	s5 =	simm.s32 $0x0;
	[dreg:$0x5] =	wrdreg s26  }
0x10: {  	s25 =	simm.s32 $0x9;
	s26 =	simm.s32 $0xA;
	s0 =	simm.s32 $0xF  }
.LBB2_1:
0x11: {  	[dreg:$0x6] =	wrdreg s5  }
0x12: {  	s4 =	rddreg [dreg:$0x3];
	s6 =	simm.s32 $0x11  }
0x13: {  	[tilespmem:s2], [sflag:$0x11] =	stream.linear.gather [hbm4b:s4+s2], $0x6400, $0x38;
	[tilespmem:$0x16400] =	vst v63  }
0x14: {  	_ =	swait.ge [sflag:s6], $0x6400  }
0x15: {  	[sflag:s6] =	ssyncset.done $0x0  }
0x16: {  	s7 =	simm.s32 $0x0;
	[sflag:s6] =	ssyncadd.s32 $0xFFFF9C00;
	s6 =	simm.s32 $0x6400  }
0x17: {  	[tilespmem:s6], [sflag:$0x1] =	stream.indirect.gather [hbm4b:s3+s8], $0x40, s7, s8, $0xb8;
	[tilespmem:$0x16400] =	vst v63  }
0x18: {  	s9 =	simm.s32 $0x80;
	s7 =	simm.s32 $0x8400  }
0x19: {  	[tilespmem:s7], [sflag:$0x2] =	stream.indirect.gather [hbm4b:s3+s8], $0x40, s9, s8, $0xb8;
	[tilespmem:$0x16400] =	vst v63  }
0x1a: {  	s10 =	simm.s32 $0x100;
	s9 =	simm.s32 $0xA400  }
0x1b: {  	[tilespmem:s9], [sflag:$0x3] =	stream.indirect.gather [hbm4b:s3+s8], $0x40, s10, s8, $0xb8;
	[tilespmem:$0x16400] =	vst v63  }
0x1c: {  	s11 =	simm.s32 $0x180;
	s10 =	simm.s32 $0xC400  }
0x1d: {  	[tilespmem:s10], [sflag:$0x4] =	stream.indirect.gather [hbm4b:s3+s8], $0x40, s11, s8, $0xb8;
	[tilespmem:$0x16400] =	vst v63  }
0x1e: {  	s12 =	simm.s32 $0x200;
	s11 =	simm.s32 $0xE400  }
0x1f: {  	[tilespmem:s11], [sflag:$0x5] =	stream.indirect.gather [hbm4b:s3+s8], $0x40, s12, s8, $0xb8;
	[tilespmem:$0x16400] =	vst v63  }
0x20: {  	s13 =	simm.s32 $0x280;
	s12 =	simm.s32 $0x10400  }
0x21: {  	[tilespmem:s12], [sflag:$0x6] =	stream.indirect.gather [hbm4b:s3+s8], $0x40, s13, s8, $0xb8;
	[tilespmem:$0x16400] =	vst v63  }
0x22: {  	s14 =	simm.s32 $0x300;
	s13 =	simm.s32 $0x12400  }
0x23: {  	[tilespmem:s13], [sflag:$0x7] =	stream.indirect.gather [hbm4b:s3+s8], $0x40, s14, s8, $0xb8;
	[tilespmem:$0x16400] =	vst v63  }
0x24: {  	s5 =	simm.s32 $0x380;
	s14 =	simm.s32 $0x14400  }
0x25: {  	[tilespmem:s14], [sflag:$0x8] =	stream.indirect.gather [hbm4b:s3+s8], $0x40, s5, s8, $0xb8;
	[tilespmem:$0x16400] =	vst v63  }
0x26: {  	_ =	swait.ge [sflag:s17], $0x2000  }
0x27: {  	[sflag:s17] =	ssyncset.done $0x0  }
0x28: {  	[sflag:s17] =	ssyncadd.s32 $0xFFFFE000  }
0x29: {  	_ =	swait.ge [sflag:s18], $0x2000  }
0x2a: {  	[sflag:s18] =	ssyncset.done $0x0  }
0x2b: {  	[sflag:s18] =	ssyncadd.s32 $0xFFFFE000  }
0x2c: {  	_ =	swait.ge [sflag:s19], $0x2000  }
0x2d: {  	[sflag:s19] =	ssyncset.done $0x0  }
0x2e: {  	[sflag:s19] =	ssyncadd.s32 $0xFFFFE000  }
0x2f: {  	_ =	swait.ge [sflag:s20], $0x2000  }
0x30: {  	[sflag:s20] =	ssyncset.done $0x0  }
0x31: {  	[sflag:s20] =	ssyncadd.s32 $0xFFFFE000  }
0x32: {  	_ =	swait.ge [sflag:s21], $0x2000  }
0x33: {  	[sflag:s21] =	ssyncset.done $0x0  }
0x34: {  	[sflag:s21] =	ssyncadd.s32 $0xFFFFE000  }
0x35: {  	_ =	swait.ge [sflag:s22], $0x2000  }
0x36: {  	[sflag:s22] =	ssyncset.done $0x0  }
0x37: {  	[sflag:s22] =	ssyncadd.s32 $0xFFFFE000  }
0x38: {  	_ =	swait.ge [sflag:s23], $0x2000  }
0x39: {  	[sflag:s23] =	ssyncset.done $0x0  }
0x3a: {  	[sflag:s23] =	ssyncadd.s32 $0xFFFFE000  }
0x3b: {  	_ =	swait.ge [sflag:s24], $0x2000  }
0x3c: {  	[sflag:s24] =	ssyncset.done $0x0;
	s5 =	rddreg [dreg:$0x5]  }
0x3d: {  	[sflag:s24] =	ssyncadd.s32 $0xFFFFE000;
	s4 =	sadd.s32 $0xFFFFE400, s5  }
0x3e: {  	[hbm4b:s4+s2] =	stream.linear.scatter [tilespmem:s6], [sflag:$0x9], $0x2000, $0x38;
	[tilespmem:$0x16400] =	vst v63  }
0x3f: {  	s6 =	sadd.s32 $0xFFFFE800, s5  }
0x40: {  	[hbm4b:s6+s2] =	stream.linear.scatter [tilespmem:s7], [sflag:$0xA], $0x2000, $0x38;
	[tilespmem:$0x16400] =	vst v63  }
0x41: {  	s7 =	sadd.s32 $0xFFFFEC00, s5  }
0x42: {  	[hbm4b:s7+s2] =	stream.linear.scatter [tilespmem:s9], [sflag:$0xB], $0x2000, $0x38;
	[tilespmem:$0x16400] =	vst v63  }
0x43: {  	s9 =	sadd.s32 $0xFFFFF000, s5  }
0x44: {  	[hbm4b:s9+s2] =	stream.linear.scatter [tilespmem:s10], [sflag:$0xC], $0x2000, $0x38;
	[tilespmem:$0x16400] =	vst v63  }
0x45: {  	s10 =	sadd.s32 $0xFFFFF400, s5  }
0x46: {  	[hbm4b:s10+s2] =	stream.linear.scatter [tilespmem:s11], [sflag:$0xD], $0x2000, $0x38;
	[tilespmem:$0x16400] =	vst v63  }
0x47: {  	s11 =	sadd.s32 $0xFFFFF800, s5  }
0x48: {  	[hbm4b:s11+s2] =	stream.linear.scatter [tilespmem:s12], [sflag:$0xE], $0x2000, $0x38;
	[tilespmem:$0x16400] =	vst v63  }
0x49: {  	s12 =	sadd.s32 $0xFFFFFC00, s5  }
0x4a: {  	[hbm4b:s12+s2] =	stream.linear.scatter [tilespmem:s13], [sflag:$0xF], $0x2000, $0x38;
	[tilespmem:$0x16400] =	vst v63  }
0x4b: {  	_ = 	snop  }
0x4c: {  	[hbm4b:s5+s2] =	stream.linear.scatter [tilespmem:s14], [sflag:$0x10], $0x2000, $0x38;
	[tilespmem:$0x16400] =	vst v63  }
0x4d: {  	_ =	swait.ge [sflag:s25], $0x2000  }
0x4e: {  	[sflag:s25] =	ssyncset.done $0x0  }
0x4f: {  	[sflag:s25] =	ssyncadd.s32 $0xFFFFE000  }
0x50: {  	_ =	swait.ge [sflag:s26], $0x2000  }
0x51: {  	[sflag:s26] =	ssyncset.done $0x0  }
0x52: {  	[sflag:s26] =	ssyncadd.s32 $0xFFFFE000  }
0x53: {  	_ =	swait.ge [sflag:s28], $0x2000  }
0x54: {  	[sflag:s28] =	ssyncset.done $0x0  }
0x55: {  	[sflag:s28] =	ssyncadd.s32 $0xFFFFE000  }
0x56: {  	_ =	swait.ge [sflag:s29], $0x2000  }
0x57: {  	[sflag:s29] =	ssyncset.done $0x0  }
0x58: {  	[sflag:s29] =	ssyncadd.s32 $0xFFFFE000  }
0x59: {  	_ =	swait.ge [sflag:s30], $0x2000  }
0x5a: {  	[sflag:s30] =	ssyncset.done $0x0  }
0x5b: {  	[sflag:s30] =	ssyncadd.s32 $0xFFFFE000  }
0x5c: {  	_ =	swait.ge [sflag:s31], $0x2000  }
0x5d: {  	[sflag:s31] =	ssyncset.done $0x0  }
0x5e: {  	[sflag:s31] =	ssyncadd.s32 $0xFFFFE000  }
0x5f: {  	_ =	swait.ge [sflag:s0], $0x2000  }
0x60: {  	[sflag:s0] =	ssyncset.done $0x0  }
0x61: {  	[sflag:s0] =	ssyncadd.s32 $0xFFFFE000  }
0x62: {  	s4 =	simm.s32 $0x2000;
	_ =	swait.ge [sflag:s1], $0x2000  }
0x63: {  	s7 =	simm.s32 $0x1000;
	s5 =	sadd.s32 $0x2000, s5;
	[sflag:s1] =	ssyncset.done $0x0  }
.LBB2_2:
0x64: {  	s9 =	sshra.s32 s7, $0x2;
	[sflag:s1] =	ssyncadd.s32 $0xFFFFE000  }
0x65: {  	s7 =	smov.u32 s4;
	s6 =	sadd.s32 $0x1000, s4;
	s10 =	simm.s32 $0x6400  }
0x66: {  	[tilespmem:s10], [sflag:$0x1] =	stream.indirect.gather [hbm4b:s3+s8], $0x40, s9, s8, $0xb8;
	[tilespmem:$0x16400] =	vst v63  }
0x67: {  	p0 =	sne.s32 s4, $0x18000;
	s11 =	simm.s32 $0x8400;
	s4 =	sadd.s32 $0x80, s9  }
0x68: {  	[tilespmem:s11], [sflag:$0x2] =	stream.indirect.gather [hbm4b:s3+s8], $0x40, s4, s8, $0xb8;
	[tilespmem:$0x16400] =	vst v63  }
0x69: {  	s12 =	simm.s32 $0xA400;
	s4 =	sadd.s32 $0x100, s9  }
0x6a: {  	[tilespmem:s12], [sflag:$0x3] =	stream.indirect.gather [hbm4b:s3+s8], $0x40, s4, s8, $0xb8;
	[tilespmem:$0x16400] =	vst v63  }
0x6b: {  	s13 =	simm.s32 $0xC400;
	s4 =	sadd.s32 $0x180, s9  }
0x6c: {  	[tilespmem:s13], [sflag:$0x4] =	stream.indirect.gather [hbm4b:s3+s8], $0x40, s4, s8, $0xb8;
	[tilespmem:$0x16400] =	vst v63  }
0x6d: {  	s14 =	simm.s32 $0xE400;
	s4 =	sadd.s32 $0x200, s9  }
0x6e: {  	[tilespmem:s14], [sflag:$0x5] =	stream.indirect.gather [hbm4b:s3+s8], $0x40, s4, s8, $0xb8;
	[tilespmem:$0x16400] =	vst v63  }
0x6f: {  	s4 =	sadd.s32 $0x280, s9  }
0x70: {  	[tilespmem:s15], [sflag:$0x6] =	stream.indirect.gather [hbm4b:s3+s8], $0x40, s4, s8, $0xb8;
	[tilespmem:$0x16400] =	vst v63  }
0x71: {  	s4 =	sadd.s32 $0x300, s9  }
0x72: {  	[tilespmem:s16], [sflag:$0x7] =	stream.indirect.gather [hbm4b:s3+s8], $0x40, s4, s8, $0xb8;
	[tilespmem:$0x16400] =	vst v63  }
0x73: {  	s4 =	sadd.s32 $0x380, s9;
	s9 =	simm.s32 $0x14400  }
0x74: {  	[tilespmem:s9], [sflag:$0x8] =	stream.indirect.gather [hbm4b:s3+s8], $0x40, s4, s8, $0xb8;
	[tilespmem:$0x16400] =	vst v63  }
0x75: {  	_ =	swait.ge [sflag:s17], $0x2000  }
0x76: {  	[sflag:s17] =	ssyncset.done $0x0  }
0x77: {  	[sflag:s17] =	ssyncadd.s32 $0xFFFFE000  }
0x78: {  	_ =	swait.ge [sflag:s18], $0x2000  }
0x79: {  	[sflag:s18] =	ssyncset.done $0x0  }
0x7a: {  	[sflag:s18] =	ssyncadd.s32 $0xFFFFE000  }
0x7b: {  	_ =	swait.ge [sflag:s19], $0x2000  }
0x7c: {  	[sflag:s19] =	ssyncset.done $0x0  }
0x7d: {  	[sflag:s19] =	ssyncadd.s32 $0xFFFFE000  }
0x7e: {  	_ =	swait.ge [sflag:s20], $0x2000  }
0x7f: {  	[sflag:s20] =	ssyncset.done $0x0  }
0x80: {  	[sflag:s20] =	ssyncadd.s32 $0xFFFFE000  }
0x81: {  	_ =	swait.ge [sflag:s21], $0x2000  }
0x82: {  	[sflag:s21] =	ssyncset.done $0x0  }
0x83: {  	[sflag:s21] =	ssyncadd.s32 $0xFFFFE000  }
0x84: {  	_ =	swait.ge [sflag:s22], $0x2000  }
0x85: {  	[sflag:s22] =	ssyncset.done $0x0  }
0x86: {  	[sflag:s22] =	ssyncadd.s32 $0xFFFFE000  }
0x87: {  	_ =	swait.ge [sflag:s23], $0x2000  }
0x88: {  	[sflag:s23] =	ssyncset.done $0x0  }
0x89: {  	[sflag:s23] =	ssyncadd.s32 $0xFFFFE000  }
0x8a: {  	_ =	swait.ge [sflag:s24], $0x2000  }
0x8b: {  	[sflag:s24] =	ssyncset.done $0x0  }
0x8c: {  	s4 =	sadd.s32 $0xFFFFE400, s5;
	[sflag:s24] =	ssyncadd.s32 $0xFFFFE000  }
0x8d: {  	[hbm4b:s4+s2] =	stream.linear.scatter [tilespmem:s10], [sflag:$0x9], $0x2000, $0x38;
	[tilespmem:$0x16400] =	vst v63  }
0x8e: {  	s4 =	sadd.s32 $0xFFFFE800, s5  }
0x8f: {  	[hbm4b:s4+s2] =	stream.linear.scatter [tilespmem:s11], [sflag:$0xA], $0x2000, $0x38;
	[tilespmem:$0x16400] =	vst v63  }
0x90: {  	s4 =	sadd.s32 $0xFFFFEC00, s5  }
0x91: {  	[hbm4b:s4+s2] =	stream.linear.scatter [tilespmem:s12], [sflag:$0xB], $0x2000, $0x38;
	[tilespmem:$0x16400] =	vst v63  }
0x92: {  	s4 =	sadd.s32 $0xFFFFF000, s5  }
0x93: {  	[hbm4b:s4+s2] =	stream.linear.scatter [tilespmem:s13], [sflag:$0xC], $0x2000, $0x38;
	[tilespmem:$0x16400] =	vst v63  }
0x94: {  	s4 =	sadd.s32 $0xFFFFF400, s5  }
0x95: {  	[hbm4b:s4+s2] =	stream.linear.scatter [tilespmem:s14], [sflag:$0xD], $0x2000, $0x38;
	[tilespmem:$0x16400] =	vst v63  }
0x96: {  	s4 =	sadd.s32 $0xFFFFF800, s5  }
0x97: {  	[hbm4b:s4+s2] =	stream.linear.scatter [tilespmem:s15], [sflag:$0xE], $0x2000, $0x38;
	[tilespmem:$0x16400] =	vst v63  }
0x98: {  	s4 =	sadd.s32 $0xFFFFFC00, s5  }
0x99: {  	[hbm4b:s4+s2] =	stream.linear.scatter [tilespmem:s16], [sflag:$0xF], $0x2000, $0x38;
	[tilespmem:$0x16400] =	vst v63  }
0x9a: {  	_ = 	snop  }
0x9b: {  	[hbm4b:s5+s2] =	stream.linear.scatter [tilespmem:s9], [sflag:$0x10], $0x2000, $0x38;
	[tilespmem:$0x16400] =	vst v63  }
0x9c: {  	_ =	swait.ge [sflag:s25], $0x2000  }
0x9d: {  	[sflag:s25] =	ssyncset.done $0x0  }
0x9e: {  	[sflag:s25] =	ssyncadd.s32 $0xFFFFE000  }
0x9f: {  	_ =	swait.ge [sflag:s26], $0x2000  }
0xa0: {  	[sflag:s26] =	ssyncset.done $0x0  }
0xa1: {  	[sflag:s26] =	ssyncadd.s32 $0xFFFFE000  }
0xa2: {  	_ =	swait.ge [sflag:s28], $0x2000  }
0xa3: {  	[sflag:s28] =	ssyncset.done $0x0  }
0xa4: {  	[sflag:s28] =	ssyncadd.s32 $0xFFFFE000  }
0xa5: {  	_ =	swait.ge [sflag:s29], $0x2000  }
0xa6: {  	[sflag:s29] =	ssyncset.done $0x0  }
0xa7: {  	[sflag:s29] =	ssyncadd.s32 $0xFFFFE000  }
0xa8: {  	_ =	swait.ge [sflag:s30], $0x2000  }
0xa9: {  	[sflag:s30] =	ssyncset.done $0x0  }
0xaa: {  	[sflag:s30] =	ssyncadd.s32 $0xFFFFE000  }
0xab: {  	_ =	swait.ge [sflag:s31], $0x2000  }
0xac: {  	[sflag:s31] =	ssyncset.done $0x0  }
0xad: {  	[sflag:s31] =	ssyncadd.s32 $0xFFFFE000  }
.Ltmp0:
0xae: {  	_ =	swait.ge [sflag:s0], $0x2000;
	(pc) =	sbr.rel @p0 .LBB2_2-.Ltmp0, $4  }
0xaf: {  	[sflag:s0] =	ssyncset.done $0x0  }
0xb0: {  	[sflag:s0] =	ssyncadd.s32 $0xFFFFE000  }
0xb1: {  	_ =	swait.ge [sflag:s1], $0x2000  }
0xb2: {  	s4 =	smov.u32 s6;
	s5 =	sadd.s32 $0x2000, s5;
	[sflag:s1] =	ssyncset.done $0x0  }
0xb3: {  	s4 =	sshra.s32 s7, $0x2;
	[sflag:s1] =	ssyncadd.s32 $0xFFFFE000;
	s7 =	simm.s32 $0x6400  }
0xb4: {  	[tilespmem:s7], [sflag:$0x1] =	stream.indirect.gather [hbm4b:s3+s8], $0x40, s4, s8, $0xb8;
	[tilespmem:$0x16400] =	vst v63  }
0xb5: {  	s9 =	simm.s32 $0x8400;
	s6 =	sadd.s32 $0x80, s4  }
0xb6: {  	[tilespmem:s9], [sflag:$0x2] =	stream.indirect.gather [hbm4b:s3+s8], $0x40, s6, s8, $0xb8;
	[tilespmem:$0x16400] =	vst v63  }
0xb7: {  	s10 =	simm.s32 $0xA400;
	s11 =	sadd.s32 $0x100, s4  }
0xb8: {  	[tilespmem:s10], [sflag:$0x3] =	stream.indirect.gather [hbm4b:s3+s8], $0x40, s11, s8, $0xb8;
	[tilespmem:$0x16400] =	vst v63  }
0xb9: {  	s12 =	sadd.s32 $0x180, s4;
	s11 =	simm.s32 $0xC400  }
0xba: {  	[tilespmem:s11], [sflag:$0x4] =	stream.indirect.gather [hbm4b:s3+s8], $0x40, s12, s8, $0xb8;
	[tilespmem:$0x16400] =	vst v63  }
0xbb: {  	s13 =	sadd.s32 $0x200, s4;
	s12 =	simm.s32 $0xE400  }
0xbc: {  	[tilespmem:s12], [sflag:$0x5] =	stream.indirect.gather [hbm4b:s3+s8], $0x40, s13, s8, $0xb8;
	[tilespmem:$0x16400] =	vst v63  }
0xbd: {  	s14 =	sadd.s32 $0x280, s4;
	s13 =	simm.s32 $0x10400  }
0xbe: {  	[tilespmem:s13], [sflag:$0x6] =	stream.indirect.gather [hbm4b:s3+s8], $0x40, s14, s8, $0xb8;
	[tilespmem:$0x16400] =	vst v63  }
0xbf: {  	s6 =	sadd.s32 $0x300, s4;
	s14 =	simm.s32 $0x12400  }
0xc0: {  	[tilespmem:s14], [sflag:$0x7] =	stream.indirect.gather [hbm4b:s3+s8], $0x40, s6, s8, $0xb8;
	[tilespmem:$0x16400] =	vst v63  }
0xc1: {  	s4 =	sadd.s32 $0x380, s4;
	s6 =	simm.s32 $0x14400  }
0xc2: {  	[tilespmem:s6], [sflag:$0x8] =	stream.indirect.gather [hbm4b:s3+s8], $0x40, s4, s8, $0xb8;
	[tilespmem:$0x16400] =	vst v63  }
0xc3: {  	_ =	swait.ge [sflag:s17], $0x2000  }
0xc4: {  	[sflag:s17] =	ssyncset.done $0x0  }
0xc5: {  	[sflag:s17] =	ssyncadd.s32 $0xFFFFE000  }
0xc6: {  	_ =	swait.ge [sflag:s18], $0x2000  }
0xc7: {  	[sflag:s18] =	ssyncset.done $0x0  }
0xc8: {  	[sflag:s18] =	ssyncadd.s32 $0xFFFFE000  }
0xc9: {  	_ =	swait.ge [sflag:s19], $0x2000  }
0xca: {  	[sflag:s19] =	ssyncset.done $0x0  }
0xcb: {  	[sflag:s19] =	ssyncadd.s32 $0xFFFFE000  }
0xcc: {  	_ =	swait.ge [sflag:s20], $0x2000  }
0xcd: {  	[sflag:s20] =	ssyncset.done $0x0  }
0xce: {  	[sflag:s20] =	ssyncadd.s32 $0xFFFFE000  }
0xcf: {  	_ =	swait.ge [sflag:s21], $0x2000  }
0xd0: {  	[sflag:s21] =	ssyncset.done $0x0  }
0xd1: {  	[sflag:s21] =	ssyncadd.s32 $0xFFFFE000  }
0xd2: {  	_ =	swait.ge [sflag:s22], $0x2000  }
0xd3: {  	[sflag:s22] =	ssyncset.done $0x0  }
0xd4: {  	[sflag:s22] =	ssyncadd.s32 $0xFFFFE000  }
0xd5: {  	_ =	swait.ge [sflag:s23], $0x2000  }
0xd6: {  	[sflag:s23] =	ssyncset.done $0x0  }
0xd7: {  	[sflag:s23] =	ssyncadd.s32 $0xFFFFE000  }
0xd8: {  	_ =	swait.ge [sflag:s24], $0x2000  }
0xd9: {  	[sflag:s24] =	ssyncset.done $0x0  }
0xda: {  	s4 =	sadd.s32 $0xFFFFE400, s5;
	[sflag:s24] =	ssyncadd.s32 $0xFFFFE000  }
0xdb: {  	[hbm4b:s4+s2] =	stream.linear.scatter [tilespmem:s7], [sflag:$0x9], $0x2000, $0x38;
	[tilespmem:$0x16400] =	vst v63  }
0xdc: {  	s7 =	sadd.s32 $0xFFFFE800, s5  }
0xdd: {  	[hbm4b:s7+s2] =	stream.linear.scatter [tilespmem:s9], [sflag:$0xA], $0x2000, $0x38;
	[tilespmem:$0x16400] =	vst v63  }
0xde: {  	s7 =	sadd.s32 $0xFFFFEC00, s5  }
0xdf: {  	[hbm4b:s7+s2] =	stream.linear.scatter [tilespmem:s10], [sflag:$0xB], $0x2000, $0x38;
	[tilespmem:$0x16400] =	vst v63  }
0xe0: {  	s9 =	sadd.s32 $0xFFFFF000, s5  }
0xe1: {  	[hbm4b:s9+s2] =	stream.linear.scatter [tilespmem:s11], [sflag:$0xC], $0x2000, $0x38;
	[tilespmem:$0x16400] =	vst v63  }
0xe2: {  	s10 =	sadd.s32 $0xFFFFF400, s5  }
0xe3: {  	[hbm4b:s10+s2] =	stream.linear.scatter [tilespmem:s12], [sflag:$0xD], $0x2000, $0x38;
	[tilespmem:$0x16400] =	vst v63  }
0xe4: {  	s11 =	sadd.s32 $0xFFFFF800, s5  }
0xe5: {  	[hbm4b:s11+s2] =	stream.linear.scatter [tilespmem:s13], [sflag:$0xE], $0x2000, $0x38;
	[tilespmem:$0x16400] =	vst v63  }
0xe6: {  	s12 =	sadd.s32 $0xFFFFFC00, s5  }
0xe7: {  	[hbm4b:s12+s2] =	stream.linear.scatter [tilespmem:s14], [sflag:$0xF], $0x2000, $0x38;
	[tilespmem:$0x16400] =	vst v63  }
0xe8: {  	_ = 	snop  }
0xe9: {  	[hbm4b:s5+s2] =	stream.linear.scatter [tilespmem:s6], [sflag:$0x10], $0x2000, $0x38;
	[tilespmem:$0x16400] =	vst v63  }
0xea: {  	_ =	swait.ge [sflag:s25], $0x2000  }
0xeb: {  	[sflag:s25] =	ssyncset.done $0x0  }
0xec: {  	[sflag:s25] =	ssyncadd.s32 $0xFFFFE000  }
0xed: {  	_ =	swait.ge [sflag:s26], $0x2000  }
0xee: {  	[sflag:s26] =	ssyncset.done $0x0  }
0xef: {  	[sflag:s26] =	ssyncadd.s32 $0xFFFFE000  }
0xf0: {  	_ =	swait.ge [sflag:s28], $0x2000  }
0xf1: {  	[sflag:s28] =	ssyncset.done $0x0  }
0xf2: {  	[sflag:s28] =	ssyncadd.s32 $0xFFFFE000  }
0xf3: {  	_ =	swait.ge [sflag:s29], $0x2000  }
0xf4: {  	[sflag:s29] =	ssyncset.done $0x0  }
0xf5: {  	[sflag:s29] =	ssyncadd.s32 $0xFFFFE000  }
0xf6: {  	_ =	swait.ge [sflag:s30], $0x2000  }
0xf7: {  	[sflag:s30] =	ssyncset.done $0x0  }
0xf8: {  	[sflag:s30] =	ssyncadd.s32 $0xFFFFE000  }
0xf9: {  	_ =	swait.ge [sflag:s31], $0x2000  }
0xfa: {  	[sflag:s31] =	ssyncset.done $0x0  }
0xfb: {  	[sflag:s31] =	ssyncadd.s32 $0xFFFFE000  }
0xfc: {  	_ =	swait.ge [sflag:s0], $0x2000  }
0xfd: {  	[sflag:s0] =	ssyncset.done $0x0  }
0xfe: {  	[sflag:s0] =	ssyncadd.s32 $0xFFFFE000  }
0xff: {  	_ =	swait.ge [sflag:s1], $0x2000  }
0x100: {  	s13 =	rddreg [dreg:$0x6]  }
0x101: {  	s14 =	rddreg [dreg:$0x4];
	s5 =	sadd.s32 $0x1, s13  }
0x102: {  	p0 =	sne.s32 s5, s14  }
.Ltmp1:
0x103: {  	_ = 	snop;
	(pc) =	sbr.rel @p0 .LBB2_1-.Ltmp1, $3  }
0x104: {  	_ =	sdelay $0x1  }
0x105: {  	[sflag:s1] =	ssyncset.done $0x0  }
0x106: {  	[sflag:s1] =	ssyncadd.s32 $0xFFFFE000  }
0x107: {  	_ =	sfence.sel $0x180000  }
0x108: {  	[bflag:$0x0] =	sbarrier.arrive $0xFFFF  }
0x109: {  	_ =	strace $0x90000047  }
0x10a: {  	s0 =	stileid.u32;
	[bflag:$0x2] =	sbarrier.arrive $0xFFFF  }
0x10b: {  	p0 =	sne.s32 s0, $0x0;
	s0 =	rddreg [dreg:$0x2]  }
0x10c: {  	s0 =	sadd.s32 @!p0 $0x100000, s0  }
0x10d: {  	[sflag:s0] =	ssyncadd.tile.s32 @!p0 $0x1;
	_ =	shalt  }
.Lfunc_end2:
_tile_overlayer_lowered:
.L_overlay_start_2:
0x10e: {  	(tag) =	ssettag $0x2  }
0x10f: {  	s0 =	rddreg [dreg:$0x0];
	s2 =	stileid.u32  }
0x110: {  	s1 =	rddreg [dreg:$0x1];
	p0 =	sne.s32 s2, $0x0  }
0x111: {  	s3 =	rddreg [dreg:$0x2];
	[bflag:$0x3] =	sbarrier.arrive $0xFFFF;
	s2 =	simm.s32 @!p0 $0x1C11  }
0x112: {  	[timem:s3], [sflag:s2] =	dma.local @!p0 [hbm:s0], s1  }
0x113: {  	s0 =	simm.s32 @!p0 $0x11  }
0x114: {  	_ =	swait.ge @!p0 [sflag:s0], s1  }
0x115: {  	s1 =	ssub.s32 @!p0 $0x0, s1;
	[sflag:s0] =	ssyncset.done @!p0 $0x0  }
0x116: {  	[sflag:s0] =	ssyncadd.s32 @!p0 s1  }
0x117: {  	[bflag:$0x3] =	sbarrier.arrive $0xFFFF  }
0x118: {  	_ =	shalt  }

// kernel: sparse-core-data-format-call.cloned.1.call-start
scs
called_computation_lowered:
.L_overlay_start_0:
0x0: {  	s2 =	sld [smem:$0x3FD9]  }
0x1: {  	s3 =	sld [smem:$0x3FFE];
	_ =	sdelay $0x1  }
0x2: {  	s1 =	srdreg.scid  }
0x3: {  	s0 =	sand.u32 $0x1, s1  }
0x4: {  	s18 =	sshll.u32 s0, $0xA;
	s2 =	sadd.s32 s3, s2  }
0x5: {  	s2 =	sadd.s32 s2, s18  }
0x6: {  	[smem:$0x3FC1] =	sst s2  }
0x7: {  	_ = 	snop  }
0x8: {  	s2 =	sld [smem:$0x3FD0];
	(tm) =	ssettm $0x1  }
0x9: {  	s19 =	sld [smem:$0x3FFB];
	_ =	sdelay $0x3  }
0xa: {  	_ =	strace s19  }
0xb: {  	s3 =	sld [smem:$0x3FFC];
	_ =	sdelay $0x3  }
0xc: {  	_ =	strace s3  }
0xd: {  	s3 =	sld [smem:$0x3FFD];
	_ =	sdelay $0x3  }
0xe: {  	_ =	strace s3  }
0xf: {  	_ =	strace $0x8FFFFFFF  }
0x10: {  	s20 =	sld [smem:$0x3FDB];
	_ =	sdelay $0x1  }
0x11: {  	s4 =	simm.s32 $_scs_section_size  }
0x12: {  	s5 =	simm.s32 $_size__tile_overlayer_lowered;
	s6 =	simm.s32 $_tile_overlayer_lowered  }
0x13: {  	s23 =	simm.s32 $0x1BFF;
	s22 =	sshll.u32 s6, $0x1;
	s3 =	sadd.s32 s4, s20  }
0x14: {  	s7 =	simm.s32 $0x0;
	s21 =	sshll.u32 s5, $0x1;
	s5 =	sadd.s32 s22, s3  }
0x15: {  	[timem:s7], [sflag:s23] =	dma.local [hbm:s5], s21  }
0x16: {  	_ =	swait.ge [sflag:s23], s21  }
0x17: {  	s4 =	ssub.s32 $0x0, s21;
	[sflag:s23] =	ssyncset.done $0x0  }
0x18: {  	[sflag:s23] =	ssyncadd.s32 s4;
	_ =	sdelay $0x1  }
0x19: {  	s24 =	simm.s32 $0x1B8B  }
0x1a: {  	_ =	swait.ge [sflag:s24], $0x1  }
0x1b: {  	[sflag:s24] =	ssyncset.done $0x0  }
0x1c: {  	s26 =	simm.s32 $0x1B8E;
	s25 =	sld [smem:$0x3FFE];
	[sflag:s24] =	ssyncadd.s32 $0xFFFFFFFF  }
0x1d: {  	s27 =	simm.s32 $execute0_lowered;
	[smem:$0x3FD2] =	sst s26  }
0x1e: {  	s5 =	sshll.u32 s27, $0x1;
	_ =	strace $0x80000049;
	[dreg:$0x1] =	wrdreg $0xFFFFFFFF  }
0x1f: {  	s28 =	simm.s32 $_size_execute0_lowered;
	s3 =	sadd.s32 s3, s5;
	[dreg:$0x0] =	wrdreg $0x0  }
0x20: {  	s5 =	sshll.u32 s28, $0x1;
	[dreg:$0x2] =	wrdreg s3  }
0x21: {  	[dreg:$0x3] =	wrdreg s5  }
0x22: {  	[dreg:$0x4] =	wrdreg $0xC0  }
0x23: {  	_ =	task [dreg:s7], $0x5FFFF  }
0x24: {  	[dreg:$0x1] =	wrdreg $0xFFFFFFFF  }
0x25: {  	[dreg:$0x0] =	wrdreg $0x60  }
0x26: {  	[dreg:$0x2] =	wrdreg s25  }
0x27: {  	[dreg:$0x3] =	wrdreg s2  }
0x28: {  	[dreg:$0x4] =	wrdreg $0x9  }
0x29: {  	_ =	task.clear_ibuf [dreg:s7], $0x5FFFF;
	_ =	strace $0x90000049  }
0x2a: {  	s29 =	simm.s32 $0x9;
	_ =	strace $0x8000004B  }
0x2b: {  	_ =	swait.ge [sflag:s29], $0x1  }
0x2c: {  	[sflag:s29] =	ssyncadd.s32 $0xFFFFFFFF  }
0x2d: {  	_ =	strace $0x9000004B  }
0x2e: {  	_ =	sfence  }
0x2f: {  	s30 =	sld [smem:$0x0];
	_ =	sdelay $0x2  }
0x30: {  	s31 =	sshll.u32 s1, $0xD;
	s1 =	sshrl.u32 s1, $0x2  }
0x31: {  	s3 =	sand.u32 $0x4000, s31;
	s1 =	sadd.s32 s1, s30  }
0x32: {  	s0 =	sor.u32 s3, s0;
	s1 =	sshll.u32 s1, $0x11  }
0x33: {  	s0 =	sor.u32 s1, s0  }
0x34: {  	s0 =	sadd.s32 $0x8F2B, s0  }
0x35: {  	[sflag:s0] =	ssyncadd.remote.s32 $0x1  }
0x36: {  	_ =	sfence.sel $0xFFFF  }
0x37: {  	[dreg:$0x0] =	wrdreg $0xFFFFFFFF;
	(pc) =	sbr.abs _section_cstart, $3  }
0x38: {  	[dreg:$0x1] =	wrdreg $0xFFFFFFFF  }
0x39: {  	_ =	task.clear_ibuf [dreg:s7], $0x2FFFF;
	_ =	strace $0x9FFFFFFF  }
0x3a: {  	(tm) =	ssettm $0x7FFFFFFF  }
0x3b: {  	_ =	shalt  }
tec
execute0_lowered:
.L_overlay_start_1:
0x0: {  	(tag) =	ssettag $0x1  }
0x1: {  	s0 =	srdreg.scid  }
0x2: {  	s1 =	sshll.u32 s0, $0x4  }
0x3: {  	s0 =	stileid.u32;
	s1 =	sand.u32 $0x10, s1  }
0x4: {  	s1 =	sor.u32 s0, s1  }
0x5: {  	s6 =	rddreg [dreg:$0x0];
	s4 =	simm.s32 $0x1;
	s2 =	sshll.u32 s1, $0x7  }
0x6: {  	s7 =	simm.s32 $0x2;
	s12 =	simm.s32 $0x0;
	s1 =	ssub.s32 $0x1000, s2  }
0x7: {  	s8 =	simm.s32 $0x8000;
	s13 =	simm.s32 $0x0;
	s3 =	sand.u32 $0xF80, s1  }
0x8: {  	s9 =	simm.s32 $0x0;
	s5 =	sshrl.u32 s1, $0xC;
	p0 =	sne.s32 s3, $0x0  }
.Ltmp0:
0x9: {  	s1 =	rddreg [dreg:$0x2];
	s4 =	simm.s32 @!p0 $0x0;
	(pc) =	sbr.rel .LBB1_1-.Ltmp0, $4  }
0xa: {  	s11 =	simm.s32 $0x0;
	s3 =	rddreg [dreg:$0x1];
	s5 =	sadd.s32 s4, s5  }
0xb: {  	_ =	strace $0x8000004A;
	s4 =	simm.s32 $0x1;
	s5 =	smul.u32 $0xC8, s5  }
0xc: {  	s6 =	sadd.s32 $0x1600, s6;
	s10 =	smov.u32 s2;
	[sflag:s4] =	ssyncpa.u1 $0x0  }
0xd: {  	p0 =	por $0x0, $0x0;
	[sflag:s7] =	ssyncpa.u1 $0x0;
	s7 =	sor.u32 $0x1, s5  }
.LBB1_4:
0xe: {  	s16 =	sshll.u32 s13, $0x3;
	s17 =	sand.u32 $0x78, s13  }
0xf: {  	s30 =	sand.u32 $0x7E00, s13;
	s12 =	sshll.u32 s12, $0xF;
	s16 =	sand.u32 $0xC00, s16  }
0x10: {  	[tilespmem:s15+$0x810 ss:$0x81] =	vst.msk $0xffff, v2;
	s31 =	sand.u32 $0x7, s13;
	s16 =	sor.u32 s17, s16;
	s17 =	sadd.s32 s3, s30  }
0x11: {  	[tilespmem:s15+$0x1020 ss:$0x81] =	vst.msk $0xffff, v0;
	s13 =	sshll.u32 s31, $0x12;
	s12 =	sadd.s32 s12, s17;
	s16 =	sshrl.u32 s16, $0x3  }
0x12: {  	[tilespmem:s15+$0x0 ss:$0x81] =	vst.msk $0xffff, v1;
	s13 =	sor.u32 $0x400, s13;
	s12 =	sadd.s32 s16, s12  }
0x13: {  	[hbm4b:s12+s13] =	stream.strided.scatter [tilespmem:s14], [sflag:$0x2], $0x2000, s8, s13, $0x20;
	[tilespmem:$0x8080] =	vst v63  }
.LBB1_5:
0x14: {  	s14 =	sadd.s32 $0x1, s9  }
0x15: {  	s12 =	sadd.s32 $0x1000, s10;
	s16 =	smov.u32 s10;
	p2 =	sgt.s32 s14, $0xC7  }
0x16: {  	s16 =	smov.u32 @p2 s12  }
0x17: {  	s14 =	simm.s32 @p2 $0x0;
	p2 =	sgt.s32 s16, $0xFFF  }
0x18: {  	s16 =	smov.u32 @p2 s2;
	p2 =	sne.s32 s11, s7  }
.Ltmp1:
0x19: {  	p1 =	slt.u32 s11, $0x2;
	(pc) =	sbr.rel @!p2 .LBB1_6-.Ltmp1, $4  }
0x1a: {  	s15 =	simm.s32 @!p1 $0x2  }
0x1b: {  	s13 =	smov.u32 s10;
	p0 =	por !p0, !p0;
	_ =	swait.ge @!p1 [sflag:s15], $0x2000  }
0x1c: {  	s12 =	smov.u32 s9;
	[sflag:s15] =	ssyncset.done @!p1 $0x0;
	s9 =	smov.u32 s14  }
0x1d: {  	s11 =	sadd.s32 $0x1, s11;
	[sflag:s15] =	ssyncadd.s32 @!p1 $0xFFFFE000;
	s10 =	smov.u32 s16  }
.LBB1_1:
0x1e: {  	p1 =	sge.u32 s11, s5  }
0x1f: {  	s14 =	sand.u32 @!p1 $0x1FFFFFF, s9  }
0x20: {  	s15 =	smulhi.u32 @!p1 $0x147AE15, s14;
	_ =	sdelay $0x1  }
0x21: {  	s15 =	smul.u32 @!p1 $0xC8, s15  }
0x22: {  	s16 =	sxor.u32 @!p1 $0xFFFFFFFF, s11;
	s17 =	smul.u32 @!p1 $0xC80, s10  }
0x23: {  	s31 =	sadd.s32 $0xFFFFFFFF, s11;
	s16 =	sshll.u32 @!p1 s16, $0xD;
	s14 =	ssub.s32 @!p1 s14, s15  }
0x24: {  	s15 =	sand.u32 @!p1 $0x2000, s16;
	s16 =	sadd.s32 @!p1 s6, s17;
	s14 =	sshll.u32 @!p1 s14, $0x4  }
0x25: {  	s17 =	simm.s32 @!p1 $0x6400;
	s14 =	sadd.s32 @!p1 s14, s16;
	s16 =	simm.s32 @!p1 $0x40  }
0x26: {  	[tilespmem:s15], [sflag:$0x1] =	stream.strided.gather @!p1 [hbm4b:s14+s16], $0x2000, s17, s16, $0x38;
	[tilespmem:$0x8080] =	vst v63  }
0x27: {  	p1 =	sge.u32 s31, s5  }
.Ltmp2:
0x28: {  	_ = 	snop;
	(pc) =	sbr.rel @p1 .LBB1_5-.Ltmp2, $1  }
0x29: {  	_ =	sdelay $0x3  }
0x2a: {  	s14 =	simm.s32 $0x1  }
0x2b: {  	_ =	swait.ge [sflag:s4], $0x2000;
	s14 =	simm.s32 @!p0 $0x0  }
0x2c: {  	[sflag:s4] =	ssyncset.done $0x0;
	s15 =	sshll.u32 s14, $0xD  }
0x2d: {  	[sflag:s4] =	ssyncadd.s32 $0xFFFFE000;
	s18 =	sor.u32 $0x20, s15  }
0x2e: {  	s14 =	smul.u32 $0x8100, s14;
	v3 =	vld [tilespmem:s18+$0x10]  }
0x2f: {  	s30 =	sand.u32 $0x1, s11;
	v2 =	vld [tilespmem:s18+$0xFFFFFFF0]  }
0x30: {  	s15 =	smul.u32 $0x8100, s30;
	s14 =	sshrl.u32 s14, $0x2;
	v0 =	vld [tilespmem:s18+$0x0]  }
0x31: {  	v1 =	vld [tilespmem:s18+$0xFFFFFFE0];
	s16 =	sor.u32 $0x4000, s14  }
0x32: {  	s31 =	sshrl.u32 s15, $0x2;
	s15 =	sadd.s32 $0x0, s16  }
0x33: {  	s17 =	simm.s32 $0x4;
	s18 =	sadd.s32 $0x40, s18;
	s14 =	sor.u32 $0x4000, s31;
	[tilespmem:s15+$0x1830 ss:$0x81] =	vst.msk $0xffff, v3  }
.LBB1_3:
0x34: {  	v3 =	vld [tilespmem:s18+$0x10];
	p1 =	sne.s32 s17, $0x1FC;
	[tilespmem:s15+$0x810 ss:$0x81] =	vst.msk $0xffff, v2;
	s19 =	smov.u32 s17;
	s17 =	sadd.s32 $0x4, s17  }
.Ltmp3:
0x35: {  	v2 =	vld [tilespmem:s18+$0xFFFFFFF0];
	[tilespmem:s15+$0x1020 ss:$0x81] =	vst.msk $0xffff, v0;
	(pc) =	sbr.rel @p1 .LBB1_3-.Ltmp3, $4  }
0x36: {  	v0 =	vld [tilespmem:s18+$0x0];
	[tilespmem:s15+$0x0 ss:$0x81] =	vst.msk $0xffff, v1  }
0x37: {  	s15 =	sshra.s32 s19, $0x2;
	v1 =	vld [tilespmem:s18+$0xFFFFFFE0]  }
0x38: {  	s15 =	sadd.s32 s15, s16  }
0x39: {  	s18 =	sadd.s32 $0x40, s18;
	[tilespmem:s15+$0x1830 ss:$0x81] =	vst.msk $0xffff, v3  }
.Ltmp4:
0x3a: {  	_ = 	snop;
	(pc) =	sbr.rel .LBB1_4-.Ltmp4, $1  }
0x3b: {  	_ =	sdelay $0x3  }
.LBB1_6:
0x3c: {  	_ =	sfence.sel $0x180000  }
0x3d: {  	s2 =	simm.s32 $0x1;
	[bflag:$0x0] =	sbarrier.arrive $0xFFFF  }
0x3e: {  	s31 =	simm.s32 $0x2;
	[sflag:s2] =	ssyncpa.u1 $0x1  }
0x3f: {  	[sflag:s31] =	ssyncpa.u1 $0x1  }
0x40: {  	p0 =	sne.s32 s0, $0x0;
	_ =	strace $0x9000004A  }
0x41: {  	s0 =	sadd.s32 @!p0 $0x100000, s1;
	[bflag:$0x2] =	sbarrier.arrive $0xFFFF  }
0x42: {  	[sflag:s0] =	ssyncadd.tile.s32 @!p0 $0x1;
	_ =	shalt  }
.Lfunc_end1:
_tile_overlayer_lowered:
.L_overlay_start_2:
0x43: {  	(tag) =	ssettag $0x2  }
0x44: {  	s0 =	rddreg [dreg:$0x0];
	s2 =	stileid.u32  }
0x45: {  	s1 =	rddreg [dreg:$0x1];
	p0 =	sne.s32 s2, $0x0  }
0x46: {  	s3 =	rddreg [dreg:$0x2];
	[bflag:$0x3] =	sbarrier.arrive $0xFFFF;
	s2 =	simm.s32 @!p0 $0x1C01  }
0x47: {  	[timem:s3], [sflag:s2] =	dma.local @!p0 [hbm:s0], s1  }
0x48: {  	s0 =	simm.s32 @!p0 $0x1  }
0x49: {  	_ =	swait.ge @!p0 [sflag:s0], s1  }
0x4a: {  	s1 =	ssub.s32 @!p0 $0x0, s1;
	[sflag:s0] =	ssyncset.done @!p0 $0x0  }
0x4b: {  	[sflag:s0] =	ssyncadd.s32 @!p0 s1  }
0x4c: {  	[bflag:$0x3] =	sbarrier.arrive $0xFFFF  }
0x4d: {  	_ =	shalt  }

</sc_bundles>
